<compile_context>
chip_gen: v7x
topology: tpu7x:2x2x1
jax: 0.10.2.dev20260603
libtpu: 0.0.44.dev20260713+nightly
codegen_flags: <defaults>
</compile_context>

<pallas_src>
import dataclasses
import functools

import jax
import jax.numpy as jnp
from jax import lax
from jax.experimental import pallas as pl
from jax.experimental.pallas import tpu as pltpu
from jax.experimental.pallas import tpu_sc as plsc

_SC_CORES = 2
_SC_SUBCORES = 16
_SC_WORKERS = _SC_CORES * _SC_SUBCORES


def _argmin_body(x_ref, k_ref, ksq_ref, o_ref):
    c = pl.program_id(0)
    x = x_ref[0]
    kb = k_ref[0]
    kdim = kb.shape[1]
    xsq = jnp.sum(x * x, axis=1, keepdims=True)
    dots = lax.dot_general(
        x.astype(jnp.bfloat16), kb,
        (((1,), (0,)), ((), ())),
        preferred_element_type=jnp.float32)
    dist = (xsq + ksq_ref[0]) - 2.0 * dots
    tmin = jnp.min(dist, axis=1, keepdims=True)
    kiota = lax.broadcasted_iota(jnp.int32, dist.shape, 1)
    masked = jnp.where(dist == tmin, kiota, kdim)
    first = jnp.min(masked, axis=1, keepdims=True)
    o_ref[0] = first + c * kdim


def _make_sc_gather_reduce(nb, nc, vdim):
    b_per_w = nb // _SC_WORKERS
    rows_per_w = b_per_w * nc
    nchunk = vdim // 16
    mesh = plsc.VectorSubcoreMesh(core_axis_name="c", subcore_axis_name="s")
    cp = pltpu.CompilerParams()
    if "needs_layout_passes" in pltpu.CompilerParams.__dataclass_fields__:
        cp = dataclasses.replace(cp, needs_layout_passes=False)

    @functools.partial(
        pl.kernel, mesh=mesh,
        compiler_params=cp,
        out_type=jax.ShapeDtypeStruct((nb, vdim), jnp.float32),
        scratch_types=[
            pltpu.VMEM((rows_per_w,), jnp.int32),
            pltpu.VMEM((rows_per_w, vdim), jnp.float32),
            pltpu.VMEM((b_per_w, vdim), jnp.float32),
            pltpu.SemaphoreType.DMA,
        ],
    )
    def gather_kernel(table_hbm, idx_hbm, out_hbm, idx_v, rows_v, out_v, sem):
        wid = lax.axis_index("s") * _SC_CORES + lax.axis_index("c")
        pltpu.sync_copy(idx_hbm.at[pl.ds(wid * rows_per_w, rows_per_w)], idx_v)
        pltpu.async_copy(table_hbm.at[idx_v], rows_v, sem).wait()
        inv = jnp.float32(1.0 / nc)
        for bb in range(b_per_w):
            vals = []
            for t in range(nchunk):
                a = rows_v[nc * bb, pl.ds(16 * t, 16)]
                for r in range(1, nc):
                    a = a + rows_v[nc * bb + r, pl.ds(16 * t, 16)]
                vals.append(a * inv)
            m = vals[0]
            for t in range(1, nchunk):
                m = jnp.maximum(m, vals[t])
            mm = jnp.max(m)
            es = [jnp.exp(v - mm) for v in vals]
            sv = es[0]
            for t in range(1, nchunk):
                sv = sv + es[t]
            ss = jnp.sum(sv)
            for t in range(nchunk):
                out_v[bb, pl.ds(16 * t, 16)] = es[t] / ss
        pltpu.sync_copy(out_v, out_hbm.at[pl.ds(wid * b_per_w, b_per_w)])

    return gather_kernel


def kernel(batch, keys, values):
    B, C, D = batch.shape
    K = keys.shape[1]
    V = values.shape[-1]
    bt = jnp.transpose(batch, (1, 0, 2))
    ksq = jnp.sum(keys * keys, axis=-1).reshape(C, 1, K)
    kbt = jnp.transpose(keys, (0, 2, 1)).astype(jnp.bfloat16)

    idx = pl.pallas_call(
        _argmin_body,
        grid=(C,),
        in_specs=[
            pl.BlockSpec((1, B, D), lambda c: (c, 0, 0)),
            pl.BlockSpec((1, D, K), lambda c: (c, 0, 0)),
            pl.BlockSpec((1, 1, K), lambda c: (c, 0, 0)),
        ],
        out_specs=pl.BlockSpec((1, B, 1), lambda c: (c, 0, 0)),
        out_shape=jax.ShapeDtypeStruct((C, B, 1), jnp.int32),
    )(bt, kbt, ksq)

    idx_bmajor = idx.reshape(C, B).T.reshape(C * B)
    table = values.reshape(C * K, V)
    return _make_sc_gather_reduce(B, C, V)(table, idx_bmajor)

# --- scband reference (transcript-rebuilt; emitter-appended) ---
"""Pipeline reference for scband-discrete-key-value-bottleneck-3745211482262 (READ-ONLY COPY).

The authoritative reference and input builder live on the scoring server;
editing this copy changes nothing except your own understanding.
"""

import jax, jax.numpy as jnp
import numpy as np

B, C, D, K, V = 64, 8, 64, 8192, 256

def setup_inputs(seed: int = 0) -> dict:
    key = jax.random.key(seed)
    k1, k2, k3 = jax.random.split(key, 3)
    batch = jax.random.normal(k1, (B, C, D), dtype=jnp.float32)
    # keys initialized uniform in [0, 1) as in initialize_random_keys(lower=0, upper=1)
    keys = jax.random.uniform(k2, (C, K, D), dtype=jnp.float32)
    # values = nn.Parameter(torch.randn(...))
    values = jax.random.normal(k3, (C, K, V), dtype=jnp.float32)
    return {"batch": batch, "keys": keys, "values": values}

def reference(batch, keys, values):
    # batch: [B, C, D]; keys: [C, K, D]; values: [C, K, V]
    # Per sample x (shape [C, D]), per codebook i: nearest key by L2 distance
    # (argmin over squared distance == argmin over distance).
    x_sq = jnp.sum(batch * batch, axis=-1)[:, :, None]          # [B, C, 1]
    k_sq = jnp.sum(keys * keys, axis=-1)[None, :, :]            # [1, C, K]
    dots = jnp.einsum('bcd,ckd->bck', batch, keys)              # [B, C, K]
    dist_sq = x_sq + k_sq - 2.0 * dots                          # [B, C, K]
    idx = jnp.argmin(dist_sq, axis=-1)                          # [B, C]
    # mapped_values[i] = values[i][idx[i]]
    cb = jnp.arange(C)[None, :]                                 # [1, C]
    mapped = values[cb, idx]                                    # [B, C, V]
    avg = jnp.mean(mapped, axis=1)                              # [B, V]
    # decoded_values = softmax(average_pool, dim=0) where average_pool is 1-D [V]
    out = jax.nn.softmax(avg, axis=-1)                          # [B, V]
    return out

if __name__ == "__main__":
    import jax
    _d = setup_inputs()
    print(jax.jit(kernel)(*tuple(_d.values())))

</pallas_src>

<mosaic_0001>
#map = affine_map<(d0, d1) -> (0, 0)>
#map1 = affine_map<(d0, d1) -> (0)>
module attributes {stable_mosaic.version = 14 : i64} {
  func.func @gather_kernel(%arg0: i32, %arg1: i32, %arg2: memref<65536x256xf32, #tpu.memory_space<hbm>>, %arg3: memref<512xi32, #tpu.memory_space<hbm>>, %arg4: memref<64x256xf32, #tpu.memory_space<hbm>>, %arg5: memref<16xi32, #tpu.memory_space<vmem>>, %arg6: memref<16x256xf32, #tpu.memory_space<vmem>>, %arg7: memref<2x256xf32, #tpu.memory_space<vmem>>, %arg8: memref<!tpu.dma_semaphore, #tpu.memory_space<semaphore_mem>>) attributes {dimension_semantics = [#tpu.dimension_semantics<core_parallel>, #tpu.dimension_semantics<subcore_parallel>], iteration_bounds = array<i64: 2, 16>, scalar_prefetch = 0 : i64, scratch_operands = 4 : i64, tpu.core_type = #tpu.core_type<sc_vector_subcore>, window_params = [{transform_indices = #map}, {transform_indices = #map1}, {transform_indices = #map}]} {
    %mul3A = arith.constant 2 : i32
    %mul3A_0 = arith.muli %arg1, %mul3A : i32
    %add3A = arith.addi %mul3A_0, %arg0 : i32
    %mul3A_1 = arith.constant 16 : i32
    %mul3A_2 = arith.muli %add3A, %mul3A_1 : i32
    "tpu.region"() ({
      %run_scoped3A = tpu.sem_alloc : memref<!tpu.dma_semaphore, #tpu.memory_space<semaphore_mem>>
      %dma_start3A_1709 = tpu.memref_slice %arg3[%mul3A_2] : memref<512xi32, #tpu.memory_space<hbm>> -> memref<16xi32, #tpu.memory_space<hbm>>
      %dma_start3A_1710 = tpu.memref_slice %arg3[%mul3A_2] : memref<512xi32, #tpu.memory_space<hbm>> -> memref<16xi32, #tpu.memory_space<hbm>>
      tpu.enqueue_dma source(%dma_start3A_1710 : memref<16xi32, #tpu.memory_space<hbm>>) target(%arg5 : memref<16xi32, #tpu.memory_space<vmem>>) target_semaphore(%run_scoped3A : memref<!tpu.dma_semaphore, #tpu.memory_space<semaphore_mem>>)
      %dma_wait3A_1711 = tpu.memref_slice %arg3[%mul3A_2] : memref<512xi32, #tpu.memory_space<hbm>> -> memref<16xi32, #tpu.memory_space<hbm>>
      %dma_wait3A_1712 = tpu.memref_slice %arg3[%mul3A_2] : memref<512xi32, #tpu.memory_space<hbm>> -> memref<16xi32, #tpu.memory_space<hbm>>
      tpu.wait_dma2 semaphore(%run_scoped3A : memref<!tpu.dma_semaphore, #tpu.memory_space<semaphore_mem>>) src(%dma_wait3A_1712 : memref<16xi32, #tpu.memory_space<hbm>>) dst(%arg5 : memref<16xi32, #tpu.memory_space<vmem>>)
      tpu.yield
    }) : () -> ()
    %dma_start3A = arith.constant 0 : i32
    %dma_start3A_3 = arith.constant 0 : i32
    %dma_start3A_4 = tpu.memref_slice %arg2[%dma_start3A, %dma_start3A_3] : memref<65536x256xf32, #tpu.memory_space<hbm>> -> memref<65536x256xf32, #tpu.memory_space<hbm>>
    tpu.enqueue_indirect_dma source(%dma_start3A_4 : memref<65536x256xf32, #tpu.memory_space<hbm>>) target(%arg6 : memref<16x256xf32, #tpu.memory_space<vmem>>) offsets(%arg5 : memref<16xi32, #tpu.memory_space<vmem>>) semaphore(%arg8 : memref<!tpu.dma_semaphore, #tpu.memory_space<semaphore_mem>>)
    %dma_wait3A = arith.constant 0 : i32
    %dma_wait3A_5 = arith.constant 0 : i32
    %dma_wait3A_6 = tpu.memref_slice %arg2[%dma_wait3A, %dma_wait3A_5] : memref<65536x256xf32, #tpu.memory_space<hbm>> -> memref<65536x256xf32, #tpu.memory_space<hbm>>
    tpu.wait_indirect_dma semaphore(%arg8 : memref<!tpu.dma_semaphore, #tpu.memory_space<semaphore_mem>>) src(%dma_wait3A_6 : memref<65536x256xf32, #tpu.memory_space<hbm>>) dst(%arg6 : memref<16x256xf32, #tpu.memory_space<vmem>>)
    %get3A = arith.constant 0 : i32
    %get3A_7 = arith.index_cast %get3A : i32 to index
    %get3A_8 = arith.constant 0 : index
    %get3A_9 = tpu.vector_load %arg6[%get3A_7, %get3A_8] {strides = array<i32>} : memref<16x256xf32, #tpu.memory_space<vmem>>, vector<16xf32>,
    %get3A_10 = arith.constant 1 : i32
    %get3A_11 = arith.index_cast %get3A_10 : i32 to index
    %get3A_12 = arith.constant 0 : index
    %get3A_13 = tpu.vector_load %arg6[%get3A_11, %get3A_12] {strides = array<i32>} : memref<16x256xf32, #tpu.memory_space<vmem>>, vector<16xf32>,
    %add3A_14 = arith.addf %get3A_9, %get3A_13 : vector<16xf32>
    %get3A_15 = arith.constant 2 : i32
    %get3A_16 = arith.index_cast %get3A_15 : i32 to index
    %get3A_17 = arith.constant 0 : index
    %get3A_18 = tpu.vector_load %arg6[%get3A_16, %get3A_17] {strides = array<i32>} : memref<16x256xf32, #tpu.memory_space<vmem>>, vector<16xf32>,
    %add3A_19 = arith.addf %add3A_14, %get3A_18 : vector<16xf32>
    %get3A_20 = arith.constant 3 : i32
    %get3A_21 = arith.index_cast %get3A_20 : i32 to index
    %get3A_22 = arith.constant 0 : index
    %get3A_23 = tpu.vector_load %arg6[%get3A_21, %get3A_22] {strides = array<i32>} : memref<16x256xf32, #tpu.memory_space<vmem>>, vector<16xf32>,
    %add3A_24 = arith.addf %add3A_19, %get3A_23 : vector<16xf32>
    %get3A_25 = arith.constant 4 : i32
    %get3A_26 = arith.index_cast %get3A_25 : i32 to index
    %get3A_27 = arith.constant 0 : index
    %get3A_28 = tpu.vector_load %arg6[%get3A_26, %get3A_27] {strides = array<i32>} : memref<16x256xf32, #tpu.memory_space<vmem>>, vector<16xf32>,
    %add3A_29 = arith.addf %add3A_24, %get3A_28 : vector<16xf32>
    %get3A_30 = arith.constant 5 : i32
    %get3A_31 = arith.index_cast %get3A_30 : i32 to index
    %get3A_32 = arith.constant 0 : index
    %get3A_33 = tpu.vector_load %arg6[%get3A_31, %get3A_32] {strides = array<i32>} : memref<16x256xf32, #tpu.memory_space<vmem>>, vector<16xf32>,
    %add3A_34 = arith.addf %add3A_29, %get3A_33 : vector<16xf32>
    %get3A_35 = arith.constant 6 : i32
    %get3A_36 = arith.index_cast %get3A_35 : i32 to index
    %get3A_37 = arith.constant 0 : index
    %get3A_38 = tpu.vector_load %arg6[%get3A_36, %get3A_37] {strides = array<i32>} : memref<16x256xf32, #tpu.memory_space<vmem>>, vector<16xf32>,
    %add3A_39 = arith.addf %add3A_34, %get3A_38 : vector<16xf32>
    %get3A_40 = arith.constant 7 : i32
    %get3A_41 = arith.index_cast %get3A_40 : i32 to index
    %get3A_42 = arith.constant 0 : index
    %get3A_43 = tpu.vector_load %arg6[%get3A_41, %get3A_42] {strides = array<i32>} : memref<16x256xf32, #tpu.memory_space<vmem>>, vector<16xf32>,
    %add3A_44 = arith.addf %add3A_39, %get3A_43 : vector<16xf32>
    %mul3A_45 = arith.constant 1.250000e-01 : f32
    %mul3A_46 = vector.broadcast %mul3A_45 : f32 to vector<16xf32>
    %mul3A_47 = arith.mulf %add3A_44, %mul3A_46 : vector<16xf32>
    %get3A_48 = arith.constant 0 : i32
    %get3A_49 = arith.index_cast %get3A_48 : i32 to index
    %get3A_50 = arith.constant 16 : index
    %get3A_51 = tpu.vector_load %arg6[%get3A_49, %get3A_50] {strides = array<i32>} : memref<16x256xf32, #tpu.memory_space<vmem>>, vector<16xf32>,
    %get3A_52 = arith.constant 1 : i32
    %get3A_53 = arith.index_cast %get3A_52 : i32 to index
    %get3A_54 = arith.constant 16 : index
    %get3A_55 = tpu.vector_load %arg6[%get3A_53, %get3A_54] {strides = array<i32>} : memref<16x256xf32, #tpu.memory_space<vmem>>, vector<16xf32>,
    %add3A_56 = arith.addf %get3A_51, %get3A_55 : vector<16xf32>
    %get3A_57 = arith.constant 2 : i32
    %get3A_58 = arith.index_cast %get3A_57 : i32 to index
    %get3A_59 = arith.constant 16 : index
    %get3A_60 = tpu.vector_load %arg6[%get3A_58, %get3A_59] {strides = array<i32>} : memref<16x256xf32, #tpu.memory_space<vmem>>, vector<16xf32>,
    %add3A_61 = arith.addf %add3A_56, %get3A_60 : vector<16xf32>
    %get3A_62 = arith.constant 3 : i32
    %get3A_63 = arith.index_cast %get3A_62 : i32 to index
    %get3A_64 = arith.constant 16 : index
    %get3A_65 = tpu.vector_load %arg6[%get3A_63, %get3A_64] {strides = array<i32>} : memref<16x256xf32, #tpu.memory_space<vmem>>, vector<16xf32>,
    %add3A_66 = arith.addf %add3A_61, %get3A_65 : vector<16xf32>
    %get3A_67 = arith.constant 4 : i32
    %get3A_68 = arith.index_cast %get3A_67 : i32 to index
    %get3A_69 = arith.constant 16 : index
    %get3A_70 = tpu.vector_load %arg6[%get3A_68, %get3A_69] {strides = array<i32>} : memref<16x256xf32, #tpu.memory_space<vmem>>, vector<16xf32>,
    %add3A_71 = arith.addf %add3A_66, %get3A_70 : vector<16xf32>
    %get3A_72 = arith.constant 5 : i32
    %get3A_73 = arith.index_cast %get3A_72 : i32 to index
    %get3A_74 = arith.constant 16 : index
    %get3A_75 = tpu.vector_load %arg6[%get3A_73, %get3A_74] {strides = array<i32>} : memref<16x256xf32, #tpu.memory_space<vmem>>, vector<16xf32>,
    %add3A_76 = arith.addf %add3A_71, %get3A_75 : vector<16xf32>
    %get3A_77 = arith.constant 6 : i32
    %get3A_78 = arith.index_cast %get3A_77 : i32 to index
    %get3A_79 = arith.constant 16 : index
    %get3A_80 = tpu.vector_load %arg6[%get3A_78, %get3A_79] {strides = array<i32>} : memref<16x256xf32, #tpu.memory_space<vmem>>, vector<16xf32>,
    %add3A_81 = arith.addf %add3A_76, %get3A_80 : vector<16xf32>
    %get3A_82 = arith.constant 7 : i32
    %get3A_83 = arith.index_cast %get3A_82 : i32 to index
    %get3A_84 = arith.constant 16 : index
    %get3A_85 = tpu.vector_load %arg6[%get3A_83, %get3A_84] {strides = array<i32>} : memref<16x256xf32, #tpu.memory_space<vmem>>, vector<16xf32>,
    %add3A_86 = arith.addf %add3A_81, %get3A_85 : vector<16xf32>
    %mul3A_87 = arith.constant 1.250000e-01 : f32
    %mul3A_88 = vector.broadcast %mul3A_87 : f32 to vector<16xf32>
    %mul3A_89 = arith.mulf %add3A_86, %mul3A_88 : vector<16xf32>
    %get3A_90 = arith.constant 0 : i32
    %get3A_91 = arith.index_cast %get3A_90 : i32 to index
    %get3A_92 = arith.constant 32 : index
    %get3A_93 = tpu.vector_load %arg6[%get3A_91, %get3A_92] {strides = array<i32>} : memref<16x256xf32, #tpu.memory_space<vmem>>, vector<16xf32>,
    %get3A_94 = arith.constant 1 : i32
    %get3A_95 = arith.index_cast %get3A_94 : i32 to index
    %get3A_96 = arith.constant 32 : index
    %get3A_97 = tpu.vector_load %arg6[%get3A_95, %get3A_96] {strides = array<i32>} : memref<16x256xf32, #tpu.memory_space<vmem>>, vector<16xf32>,
    %add3A_98 = arith.addf %get3A_93, %get3A_97 : vector<16xf32>
    %get3A_99 = arith.constant 2 : i32
    %get3A_100 = arith.index_cast %get3A_99 : i32 to index
    %get3A_101 = arith.constant 32 : index
    %get3A_102 = tpu.vector_load %arg6[%get3A_100, %get3A_101] {strides = array<i32>} : memref<16x256xf32, #tpu.memory_space<vmem>>, vector<16xf32>,
    %add3A_103 = arith.addf %add3A_98, %get3A_102 : vector<16xf32>
    %get3A_104 = arith.constant 3 : i32
    %get3A_105 = arith.index_cast %get3A_104 : i32 to index
    %get3A_106 = arith.constant 32 : index
    %get3A_107 = tpu.vector_load %arg6[%get3A_105, %get3A_106] {strides = array<i32>} : memref<16x256xf32, #tpu.memory_space<vmem>>, vector<16xf32>,
    %add3A_108 = arith.addf %add3A_103, %get3A_107 : vector<16xf32>
    %get3A_109 = arith.constant 4 : i32
    %get3A_110 = arith.index_cast %get3A_109 : i32 to index
    %get3A_111 = arith.constant 32 : index
    %get3A_112 = tpu.vector_load %arg6[%get3A_110, %get3A_111] {strides = array<i32>} : memref<16x256xf32, #tpu.memory_space<vmem>>, vector<16xf32>,
    %add3A_113 = arith.addf %add3A_108, %get3A_112 : vector<16xf32>
    %get3A_114 = arith.constant 5 : i32
    %get3A_115 = arith.index_cast %get3A_114 : i32 to index
    %get3A_116 = arith.constant 32 : index
    %get3A_117 = tpu.vector_load %arg6[%get3A_115, %get3A_116] {strides = array<i32>} : memref<16x256xf32, #tpu.memory_space<vmem>>, vector<16xf32>,
    %add3A_118 = arith.addf %add3A_113, %get3A_117 : vector<16xf32>
    %get3A_119 = arith.constant 6 : i32
    %get3A_120 = arith.index_cast %get3A_119 : i32 to index
    %get3A_121 = arith.constant 32 : index
    %get3A_122 = tpu.vector_load %arg6[%get3A_120, %get3A_121] {strides = array<i32>} : memref<16x256xf32, #tpu.memory_space<vmem>>, vector<16xf32>,
    %add3A_123 = arith.addf %add3A_118, %get3A_122 : vector<16xf32>
    %get3A_124 = arith.constant 7 : i32
    %get3A_125 = arith.index_cast %get3A_124 : i32 to index
    %get3A_126 = arith.constant 32 : index
    %get3A_127 = tpu.vector_load %arg6[%get3A_125, %get3A_126] {strides = array<i32>} : memref<16x256xf32, #tpu.memory_space<vmem>>, vector<16xf32>,
    %add3A_128 = arith.addf %add3A_123, %get3A_127 : vector<16xf32>
    %mul3A_129 = arith.constant 1.250000e-01 : f32
    %mul3A_130 = vector.broadcast %mul3A_129 : f32 to vector<16xf32>
    %mul3A_131 = arith.mulf %add3A_128, %mul3A_130 : vector<16xf32>
    %get3A_132 = arith.constant 0 : i32
    %get3A_133 = arith.index_cast %get3A_132 : i32 to index
    %get3A_134 = arith.constant 48 : index
    %get3A_135 = tpu.vector_load %arg6[%get3A_133, %get3A_134] {strides = array<i32>} : memref<16x256xf32, #tpu.memory_space<vmem>>, vector<16xf32>,
    %get3A_136 = arith.constant 1 : i32
    %get3A_137 = arith.index_cast %get3A_136 : i32 to index
    %get3A_138 = arith.constant 48 : index
    %get3A_139 = tpu.vector_load %arg6[%get3A_137, %get3A_138] {strides = array<i32>} : memref<16x256xf32, #tpu.memory_space<vmem>>, vector<16xf32>,
    %add3A_140 = arith.addf %get3A_135, %get3A_139 : vector<16xf32>
    %get3A_141 = arith.constant 2 : i32
    %get3A_142 = arith.index_cast %get3A_141 : i32 to index
    %get3A_143 = arith.constant 48 : index
    %get3A_144 = tpu.vector_load %arg6[%get3A_142, %get3A_143] {strides = array<i32>} : memref<16x256xf32, #tpu.memory_space<vmem>>, vector<16xf32>,
    %add3A_145 = arith.addf %add3A_140, %get3A_144 : vector<16xf32>
    %get3A_146 = arith.constant 3 : i32
    %get3A_147 = arith.index_cast %get3A_146 : i32 to index
    %get3A_148 = arith.constant 48 : index
    %get3A_149 = tpu.vector_load %arg6[%get3A_147, %get3A_148] {strides = array<i32>} : memref<16x256xf32, #tpu.memory_space<vmem>>, vector<16xf32>,
    %add3A_150 = arith.addf %add3A_145, %get3A_149 : vector<16xf32>
    %get3A_151 = arith.constant 4 : i32
    %get3A_152 = arith.index_cast %get3A_151 : i32 to index
    %get3A_153 = arith.constant 48 : index
    %get3A_154 = tpu.vector_load %arg6[%get3A_152, %get3A_153] {strides = array<i32>} : memref<16x256xf32, #tpu.memory_space<vmem>>, vector<16xf32>,
    %add3A_155 = arith.addf %add3A_150, %get3A_154 : vector<16xf32>
    %get3A_156 = arith.constant 5 : i32
    %get3A_157 = arith.index_cast %get3A_156 : i32 to index
    %get3A_158 = arith.constant 48 : index
    %get3A_159 = tpu.vector_load %arg6[%get3A_157, %get3A_158] {strides = array<i32>} : memref<16x256xf32, #tpu.memory_space<vmem>>, vector<16xf32>,
    %add3A_160 = arith.addf %add3A_155, %get3A_159 : vector<16xf32>
    %get3A_161 = arith.constant 6 : i32
    %get3A_162 = arith.index_cast %get3A_161 : i32 to index
    %get3A_163 = arith.constant 48 : index
    %get3A_164 = tpu.vector_load %arg6[%get3A_162, %get3A_163] {strides = array<i32>} : memref<16x256xf32, #tpu.memory_space<vmem>>, vector<16xf32>,
    %add3A_165 = arith.addf %add3A_160, %get3A_164 : vector<16xf32>
    %get3A_166 = arith.constant 7 : i32
    %get3A_167 = arith.index_cast %get3A_166 : i32 to index
    %get3A_168 = arith.constant 48 : index
    %get3A_169 = tpu.vector_load %arg6[%get3A_167, %get3A_168] {strides = array<i32>} : memref<16x256xf32, #tpu.memory_space<vmem>>, vector<16xf32>,
    %add3A_170 = arith.addf %add3A_165, %get3A_169 : vector<16xf32>
    %mul3A_171 = arith.constant 1.250000e-01 : f32
    %mul3A_172 = vector.broadcast %mul3A_171 : f32 to vector<16xf32>
    %mul3A_173 = arith.mulf %add3A_170, %mul3A_172 : vector<16xf32>
    %get3A_174 = arith.constant 0 : i32
    %get3A_175 = arith.index_cast %get3A_174 : i32 to index
    %get3A_176 = arith.constant 64 : index
    %get3A_177 = tpu.vector_load %arg6[%get3A_175, %get3A_176] {strides = array<i32>} : memref<16x256xf32, #tpu.memory_space<vmem>>, vector<16xf32>,
    %get3A_178 = arith.constant 1 : i32
    %get3A_179 = arith.index_cast %get3A_178 : i32 to index
    %get3A_180 = arith.constant 64 : index
    %get3A_181 = tpu.vector_load %arg6[%get3A_179, %get3A_180] {strides = array<i32>} : memref<16x256xf32, #tpu.memory_space<vmem>>, vector<16xf32>,
    %add3A_182 = arith.addf %get3A_177, %get3A_181 : vector<16xf32>
    %get3A_183 = arith.constant 2 : i32
    %get3A_184 = arith.index_cast %get3A_183 : i32 to index
    %get3A_185 = arith.constant 64 : index
    %get3A_186 = tpu.vector_load %arg6[%get3A_184, %get3A_185] {strides = array<i32>} : memref<16x256xf32, #tpu.memory_space<vmem>>, vector<16xf32>,
    %add3A_187 = arith.addf %add3A_182, %get3A_186 : vector<16xf32>
    %get3A_188 = arith.constant 3 : i32
    %get3A_189 = arith.index_cast %get3A_188 : i32 to index
    %get3A_190 = arith.constant 64 : index
    %get3A_191 = tpu.vector_load %arg6[%get3A_189, %get3A_190] {strides = array<i32>} : memref<16x256xf32, #tpu.memory_space<vmem>>, vector<16xf32>,
    %add3A_192 = arith.addf %add3A_187, %get3A_191 : vector<16xf32>
    %get3A_193 = arith.constant 4 : i32
    %get3A_194 = arith.index_cast %get3A_193 : i32 to index
    %get3A_195 = arith.constant 64 : index
    %get3A_196 = tpu.vector_load %arg6[%get3A_194, %get3A_195] {strides = array<i32>} : memref<16x256xf32, #tpu.memory_space<vmem>>, vector<16xf32>,
    %add3A_197 = arith.addf %add3A_192, %get3A_196 : vector<16xf32>
    %get3A_198 = arith.constant 5 : i32
    %get3A_199 = arith.index_cast %get3A_198 : i32 to index
    %get3A_200 = arith.constant 64 : index
    %get3A_201 = tpu.vector_load %arg6[%get3A_199, %get3A_200] {strides = array<i32>} : memref<16x256xf32, #tpu.memory_space<vmem>>, vector<16xf32>,
    %add3A_202 = arith.addf %add3A_197, %get3A_201 : vector<16xf32>
    %get3A_203 = arith.constant 6 : i32
    %get3A_204 = arith.index_cast %get3A_203 : i32 to index
    %get3A_205 = arith.constant 64 : index
    %get3A_206 = tpu.vector_load %arg6[%get3A_204, %get3A_205] {strides = array<i32>} : memref<16x256xf32, #tpu.memory_space<vmem>>, vector<16xf32>,
    %add3A_207 = arith.addf %add3A_202, %get3A_206 : vector<16xf32>
    %get3A_208 = arith.constant 7 : i32
    %get3A_209 = arith.index_cast %get3A_208 : i32 to index
    %get3A_210 = arith.constant 64 : index
    %get3A_211 = tpu.vector_load %arg6[%get3A_209, %get3A_210] {strides = array<i32>} : memref<16x256xf32, #tpu.memory_space<vmem>>, vector<16xf32>,
    %add3A_212 = arith.addf %add3A_207, %get3A_211 : vector<16xf32>
    %mul3A_213 = arith.constant 1.250000e-01 : f32
    %mul3A_214 = vector.broadcast %mul3A_213 : f32 to vector<16xf32>
    %mul3A_215 = arith.mulf %add3A_212, %mul3A_214 : vector<16xf32>
    %get3A_216 = arith.constant 0 : i32
    %get3A_217 = arith.index_cast %get3A_216 : i32 to index
    %get3A_218 = arith.constant 80 : index
    %get3A_219 = tpu.vector_load %arg6[%get3A_217, %get3A_218] {strides = array<i32>} : memref<16x256xf32, #tpu.memory_space<vmem>>, vector<16xf32>,
    %get3A_220 = arith.constant 1 : i32
    %get3A_221 = arith.index_cast %get3A_220 : i32 to index
    %get3A_222 = arith.constant 80 : index
    %get3A_223 = tpu.vector_load %arg6[%get3A_221, %get3A_222] {strides = array<i32>} : memref<16x256xf32, #tpu.memory_space<vmem>>, vector<16xf32>,
    %add3A_224 = arith.addf %get3A_219, %get3A_223 : vector<16xf32>
    %get3A_225 = arith.constant 2 : i32
    %get3A_226 = arith.index_cast %get3A_225 : i32 to index
    %get3A_227 = arith.constant 80 : index
    %get3A_228 = tpu.vector_load %arg6[%get3A_226, %get3A_227] {strides = array<i32>} : memref<16x256xf32, #tpu.memory_space<vmem>>, vector<16xf32>,
    %add3A_229 = arith.addf %add3A_224, %get3A_228 : vector<16xf32>
    %get3A_230 = arith.constant 3 : i32
    %get3A_231 = arith.index_cast %get3A_230 : i32 to index
    %get3A_232 = arith.constant 80 : index
    %get3A_233 = tpu.vector_load %arg6[%get3A_231, %get3A_232] {strides = array<i32>} : memref<16x256xf32, #tpu.memory_space<vmem>>, vector<16xf32>,
    %add3A_234 = arith.addf %add3A_229, %get3A_233 : vector<16xf32>
    %get3A_235 = arith.constant 4 : i32
    %get3A_236 = arith.index_cast %get3A_235 : i32 to index
    %get3A_237 = arith.constant 80 : index
    %get3A_238 = tpu.vector_load %arg6[%get3A_236, %get3A_237] {strides = array<i32>} : memref<16x256xf32, #tpu.memory_space<vmem>>, vector<16xf32>,
    %add3A_239 = arith.addf %add3A_234, %get3A_238 : vector<16xf32>
    %get3A_240 = arith.constant 5 : i32
    %get3A_241 = arith.index_cast %get3A_240 : i32 to index
    %get3A_242 = arith.constant 80 : index
    %get3A_243 = tpu.vector_load %arg6[%get3A_241, %get3A_242] {strides = array<i32>} : memref<16x256xf32, #tpu.memory_space<vmem>>, vector<16xf32>,
    %add3A_244 = arith.addf %add3A_239, %get3A_243 : vector<16xf32>
    %get3A_245 = arith.constant 6 : i32
    %get3A_246 = arith.index_cast %get3A_245 : i32 to index
    %get3A_247 = arith.constant 80 : index
    %get3A_248 = tpu.vector_load %arg6[%get3A_246, %get3A_247] {strides = array<i32>} : memref<16x256xf32, #tpu.memory_space<vmem>>, vector<16xf32>,
    %add3A_249 = arith.addf %add3A_244, %get3A_248 : vector<16xf32>
    %get3A_250 = arith.constant 7 : i32
    %get3A_251 = arith.index_cast %get3A_250 : i32 to index
    %get3A_252 = arith.constant 80 : index
    %get3A_253 = tpu.vector_load %arg6[%get3A_251, %get3A_252] {strides = array<i32>} : memref<16x256xf32, #tpu.memory_space<vmem>>, vector<16xf32>,
    %add3A_254 = arith.addf %add3A_249, %get3A_253 : vector<16xf32>
    %mul3A_255 = arith.constant 1.250000e-01 : f32
    %mul3A_256 = vector.broadcast %mul3A_255 : f32 to vector<16xf32>
    %mul3A_257 = arith.mulf %add3A_254, %mul3A_256 : vector<16xf32>
    %get3A_258 = arith.constant 0 : i32
    %get3A_259 = arith.index_cast %get3A_258 : i32 to index
    %get3A_260 = arith.constant 96 : index
    %get3A_261 = tpu.vector_load %arg6[%get3A_259, %get3A_260] {strides = array<i32>} : memref<16x256xf32, #tpu.memory_space<vmem>>, vector<16xf32>,
    %get3A_262 = arith.constant 1 : i32
    %get3A_263 = arith.index_cast %get3A_262 : i32 to index
    %get3A_264 = arith.constant 96 : index
    %get3A_265 = tpu.vector_load %arg6[%get3A_263, %get3A_264] {strides = array<i32>} : memref<16x256xf32, #tpu.memory_space<vmem>>, vector<16xf32>,
    %add3A_266 = arith.addf %get3A_261, %get3A_265 : vector<16xf32>
    %get3A_267 = arith.constant 2 : i32
    %get3A_268 = arith.index_cast %get3A_267 : i32 to index
    %get3A_269 = arith.constant 96 : index
    %get3A_270 = tpu.vector_load %arg6[%get3A_268, %get3A_269] {strides = array<i32>} : memref<16x256xf32, #tpu.memory_space<vmem>>, vector<16xf32>,
    %add3A_271 = arith.addf %add3A_266, %get3A_270 : vector<16xf32>
    %get3A_272 = arith.constant 3 : i32
    %get3A_273 = arith.index_cast %get3A_272 : i32 to index
    %get3A_274 = arith.constant 96 : index
    %get3A_275 = tpu.vector_load %arg6[%get3A_273, %get3A_274] {strides = array<i32>} : memref<16x256xf32, #tpu.memory_space<vmem>>, vector<16xf32>,
    %add3A_276 = arith.addf %add3A_271, %get3A_275 : vector<16xf32>
    %get3A_277 = arith.constant 4 : i32
    %get3A_278 = arith.index_cast %get3A_277 : i32 to index
    %get3A_279 = arith.constant 96 : index
    %get3A_280 = tpu.vector_load %arg6[%get3A_278, %get3A_279] {strides = array<i32>} : memref<16x256xf32, #tpu.memory_space<vmem>>, vector<16xf32>,
    %add3A_281 = arith.addf %add3A_276, %get3A_280 : vector<16xf32>
    %get3A_282 = arith.constant 5 : i32
    %get3A_283 = arith.index_cast %get3A_282 : i32 to index
    %get3A_284 = arith.constant 96 : index
    %get3A_285 = tpu.vector_load %arg6[%get3A_283, %get3A_284] {strides = array<i32>} : memref<16x256xf32, #tpu.memory_space<vmem>>, vector<16xf32>,
    %add3A_286 = arith.addf %add3A_281, %get3A_285 : vector<16xf32>
    %get3A_287 = arith.constant 6 : i32
    %get3A_288 = arith.index_cast %get3A_287 : i32 to index
    %get3A_289 = arith.constant 96 : index
    %get3A_290 = tpu.vector_load %arg6[%get3A_288, %get3A_289] {strides = array<i32>} : memref<16x256xf32, #tpu.memory_space<vmem>>, vector<16xf32>,
    %add3A_291 = arith.addf %add3A_286, %get3A_290 : vector<16xf32>
    %get3A_292 = arith.constant 7 : i32
    %get3A_293 = arith.index_cast %get3A_292 : i32 to index
    %get3A_294 = arith.constant 96 : index
    %get3A_295 = tpu.vector_load %arg6[%get3A_293, %get3A_294] {strides = array<i32>} : memref<16x256xf32, #tpu.memory_space<vmem>>, vector<16xf32>,
    %add3A_296 = arith.addf %add3A_291, %get3A_295 : vector<16xf32>
    %mul3A_297 = arith.constant 1.250000e-01 : f32
    %mul3A_298 = vector.broadcast %mul3A_297 : f32 to vector<16xf32>
    %mul3A_299 = arith.mulf %add3A_296, %mul3A_298 : vector<16xf32>
    %get3A_300 = arith.constant 0 : i32
    %get3A_301 = arith.index_cast %get3A_300 : i32 to index
    %get3A_302 = arith.constant 112 : index
    %get3A_303 = tpu.vector_load %arg6[%get3A_301, %get3A_302] {strides = array<i32>} : memref<16x256xf32, #tpu.memory_space<vmem>>, vector<16xf32>,
    %get3A_304 = arith.constant 1 : i32
    %get3A_305 = arith.index_cast %get3A_304 : i32 to index
    %get3A_306 = arith.constant 112 : index
    %get3A_307 = tpu.vector_load %arg6[%get3A_305, %get3A_306] {strides = array<i32>} : memref<16x256xf32, #tpu.memory_space<vmem>>, vector<16xf32>,
    %add3A_308 = arith.addf %get3A_303, %get3A_307 : vector<16xf32>
    %get3A_309 = arith.constant 2 : i32
    %get3A_310 = arith.index_cast %get3A_309 : i32 to index
    %get3A_311 = arith.constant 112 : index
    %get3A_312 = tpu.vector_load %arg6[%get3A_310, %get3A_311] {strides = array<i32>} : memref<16x256xf32, #tpu.memory_space<vmem>>, vector<16xf32>,
    %add3A_313 = arith.addf %add3A_308, %get3A_312 : vector<16xf32>
    %get3A_314 = arith.constant 3 : i32
    %get3A_315 = arith.index_cast %get3A_314 : i32 to index
    %get3A_316 = arith.constant 112 : index
    %get3A_317 = tpu.vector_load %arg6[%get3A_315, %get3A_316] {strides = array<i32>} : memref<16x256xf32, #tpu.memory_space<vmem>>, vector<16xf32>,
    %add3A_318 = arith.addf %add3A_313, %get3A_317 : vector<16xf32>
    %get3A_319 = arith.constant 4 : i32
    %get3A_320 = arith.index_cast %get3A_319 : i32 to index
    %get3A_321 = arith.constant 112 : index
    %get3A_322 = tpu.vector_load %arg6[%get3A_320, %get3A_321] {strides = array<i32>} : memref<16x256xf32, #tpu.memory_space<vmem>>, vector<16xf32>,
    %add3A_323 = arith.addf %add3A_318, %get3A_322 : vector<16xf32>
    %get3A_324 = arith.constant 5 : i32
    %get3A_325 = arith.index_cast %get3A_324 : i32 to index
    %get3A_326 = arith.constant 112 : index
    %get3A_327 = tpu.vector_load %arg6[%get3A_325, %get3A_326] {strides = array<i32>} : memref<16x256xf32, #tpu.memory_space<vmem>>, vector<16xf32>,
    %add3A_328 = arith.addf %add3A_323, %get3A_327 : vector<16xf32>
    %get3A_329 = arith.constant 6 : i32
    %get3A_330 = arith.index_cast %get3A_329 : i32 to index
    %get3A_331 = arith.constant 112 : index
    %get3A_332 = tpu.vector_load %arg6[%get3A_330, %get3A_331] {strides = array<i32>} : memref<16x256xf32, #tpu.memory_space<vmem>>, vector<16xf32>,
    %add3A_333 = arith.addf %add3A_328, %get3A_332 : vector<16xf32>
    %get3A_334 = arith.constant 7 : i32
    %get3A_335 = arith.index_cast %get3A_334 : i32 to index
    %get3A_336 = arith.constant 112 : index
    %get3A_337 = tpu.vector_load %arg6[%get3A_335, %get3A_336] {strides = array<i32>} : memref<16x256xf32, #tpu.memory_space<vmem>>, vector<16xf32>,
    %add3A_338 = arith.addf %add3A_333, %get3A_337 : vector<16xf32>
    %mul3A_339 = arith.constant 1.250000e-01 : f32
    %mul3A_340 = vector.broadcast %mul3A_339 : f32 to vector<16xf32>
    %mul3A_341 = arith.mulf %add3A_338, %mul3A_340 : vector<16xf32>
    %get3A_342 = arith.constant 0 : i32
    %get3A_343 = arith.index_cast %get3A_342 : i32 to index
    %get3A_344 = arith.constant 128 : index
    %get3A_345 = tpu.vector_load %arg6[%get3A_343, %get3A_344] {strides = array<i32>} : memref<16x256xf32, #tpu.memory_space<vmem>>, vector<16xf32>,
    %get3A_346 = arith.constant 1 : i32
    %get3A_347 = arith.index_cast %get3A_346 : i32 to index
    %get3A_348 = arith.constant 128 : index
    %get3A_349 = tpu.vector_load %arg6[%get3A_347, %get3A_348] {strides = array<i32>} : memref<16x256xf32, #tpu.memory_space<vmem>>, vector<16xf32>,
    %add3A_350 = arith.addf %get3A_345, %get3A_349 : vector<16xf32>
    %get3A_351 = arith.constant 2 : i32
    %get3A_352 = arith.index_cast %get3A_351 : i32 to index
    %get3A_353 = arith.constant 128 : index
    %get3A_354 = tpu.vector_load %arg6[%get3A_352, %get3A_353] {strides = array<i32>} : memref<16x256xf32, #tpu.memory_space<vmem>>, vector<16xf32>,
    %add3A_355 = arith.addf %add3A_350, %get3A_354 : vector<16xf32>
    %get3A_356 = arith.constant 3 : i32
    %get3A_357 = arith.index_cast %get3A_356 : i32 to index
    %get3A_358 = arith.constant 128 : index
    %get3A_359 = tpu.vector_load %arg6[%get3A_357, %get3A_358] {strides = array<i32>} : memref<16x256xf32, #tpu.memory_space<vmem>>, vector<16xf32>,
    %add3A_360 = arith.addf %add3A_355, %get3A_359 : vector<16xf32>
    %get3A_361 = arith.constant 4 : i32
    %get3A_362 = arith.index_cast %get3A_361 : i32 to index
    %get3A_363 = arith.constant 128 : index
    %get3A_364 = tpu.vector_load %arg6[%get3A_362, %get3A_363] {strides = array<i32>} : memref<16x256xf32, #tpu.memory_space<vmem>>, vector<16xf32>,
    %add3A_365 = arith.addf %add3A_360, %get3A_364 : vector<16xf32>
    %get3A_366 = arith.constant 5 : i32
    %get3A_367 = arith.index_cast %get3A_366 : i32 to index
    %get3A_368 = arith.constant 128 : index
    %get3A_369 = tpu.vector_load %arg6[%get3A_367, %get3A_368] {strides = array<i32>} : memref<16x256xf32, #tpu.memory_space<vmem>>, vector<16xf32>,
    %add3A_370 = arith.addf %add3A_365, %get3A_369 : vector<16xf32>
    %get3A_371 = arith.constant 6 : i32
    %get3A_372 = arith.index_cast %get3A_371 : i32 to index
    %get3A_373 = arith.constant 128 : index
    %get3A_374 = tpu.vector_load %arg6[%get3A_372, %get3A_373] {strides = array<i32>} : memref<16x256xf32, #tpu.memory_space<vmem>>, vector<16xf32>,
    %add3A_375 = arith.addf %add3A_370, %get3A_374 : vector<16xf32>
    %get3A_376 = arith.constant 7 : i32
    %get3A_377 = arith.index_cast %get3A_376 : i32 to index
    %get3A_378 = arith.constant 128 : index
    %get3A_379 = tpu.vector_load %arg6[%get3A_377, %get3A_378] {strides = array<i32>} : memref<16x256xf32, #tpu.memory_space<vmem>>, vector<16xf32>,
    %add3A_380 = arith.addf %add3A_375, %get3A_379 : vector<16xf32>
    %mul3A_381 = arith.constant 1.250000e-01 : f32
    %mul3A_382 = vector.broadcast %mul3A_381 : f32 to vector<16xf32>
    %mul3A_383 = arith.mulf %add3A_380, %mul3A_382 : vector<16xf32>
    %get3A_384 = arith.constant 0 : i32
    %get3A_385 = arith.index_cast %get3A_384 : i32 to index
    %get3A_386 = arith.constant 144 : index
    %get3A_387 = tpu.vector_load %arg6[%get3A_385, %get3A_386] {strides = array<i32>} : memref<16x256xf32, #tpu.memory_space<vmem>>, vector<16xf32>,
    %get3A_388 = arith.constant 1 : i32
    %get3A_389 = arith.index_cast %get3A_388 : i32 to index
    %get3A_390 = arith.constant 144 : index
    %get3A_391 = tpu.vector_load %arg6[%get3A_389, %get3A_390] {strides = array<i32>} : memref<16x256xf32, #tpu.memory_space<vmem>>, vector<16xf32>,
    %add3A_392 = arith.addf %get3A_387, %get3A_391 : vector<16xf32>
    %get3A_393 = arith.constant 2 : i32
    %get3A_394 = arith.index_cast %get3A_393 : i32 to index
    %get3A_395 = arith.constant 144 : index
    %get3A_396 = tpu.vector_load %arg6[%get3A_394, %get3A_395] {strides = array<i32>} : memref<16x256xf32, #tpu.memory_space<vmem>>, vector<16xf32>,
    %add3A_397 = arith.addf %add3A_392, %get3A_396 : vector<16xf32>
    %get3A_398 = arith.constant 3 : i32
    %get3A_399 = arith.index_cast %get3A_398 : i32 to index
    %get3A_400 = arith.constant 144 : index
    %get3A_401 = tpu.vector_load %arg6[%get3A_399, %get3A_400] {strides = array<i32>} : memref<16x256xf32, #tpu.memory_space<vmem>>, vector<16xf32>,
    %add3A_402 = arith.addf %add3A_397, %get3A_401 : vector<16xf32>
    %get3A_403 = arith.constant 4 : i32
    %get3A_404 = arith.index_cast %get3A_403 : i32 to index
    %get3A_405 = arith.constant 144 : index
    %get3A_406 = tpu.vector_load %arg6[%get3A_404, %get3A_405] {strides = array<i32>} : memref<16x256xf32, #tpu.memory_space<vmem>>, vector<16xf32>,
    %add3A_407 = arith.addf %add3A_402, %get3A_406 : vector<16xf32>
    %get3A_408 = arith.constant 5 : i32
    %get3A_409 = arith.index_cast %get3A_408 : i32 to index
    %get3A_410 = arith.constant 144 : index
    %get3A_411 = tpu.vector_load %arg6[%get3A_409, %get3A_410] {strides = array<i32>} : memref<16x256xf32, #tpu.memory_space<vmem>>, vector<16xf32>,
    %add3A_412 = arith.addf %add3A_407, %get3A_411 : vector<16xf32>
    %get3A_413 = arith.constant 6 : i32
    %get3A_414 = arith.index_cast %get3A_413 : i32 to index
    %get3A_415 = arith.constant 144 : index
    %get3A_416 = tpu.vector_load %arg6[%get3A_414, %get3A_415] {strides = array<i32>} : memref<16x256xf32, #tpu.memory_space<vmem>>, vector<16xf32>,
    %add3A_417 = arith.addf %add3A_412, %get3A_416 : vector<16xf32>
    %get3A_418 = arith.constant 7 : i32
    %get3A_419 = arith.index_cast %get3A_418 : i32 to index
    %get3A_420 = arith.constant 144 : index
    %get3A_421 = tpu.vector_load %arg6[%get3A_419, %get3A_420] {strides = array<i32>} : memref<16x256xf32, #tpu.memory_space<vmem>>, vector<16xf32>,
    %add3A_422 = arith.addf %add3A_417, %get3A_421 : vector<16xf32>
    %mul3A_423 = arith.constant 1.250000e-01 : f32
    %mul3A_424 = vector.broadcast %mul3A_423 : f32 to vector<16xf32>
    %mul3A_425 = arith.mulf %add3A_422, %mul3A_424 : vector<16xf32>
    %get3A_426 = arith.constant 0 : i32
    %get3A_427 = arith.index_cast %get3A_426 : i32 to index
    %get3A_428 = arith.constant 160 : index
    %get3A_429 = tpu.vector_load %arg6[%get3A_427, %get3A_428] {strides = array<i32>} : memref<16x256xf32, #tpu.memory_space<vmem>>, vector<16xf32>,
    %get3A_430 = arith.constant 1 : i32
    %get3A_431 = arith.index_cast %get3A_430 : i32 to index
    %get3A_432 = arith.constant 160 : index
    %get3A_433 = tpu.vector_load %arg6[%get3A_431, %get3A_432] {strides = array<i32>} : memref<16x256xf32, #tpu.memory_space<vmem>>, vector<16xf32>,
    %add3A_434 = arith.addf %get3A_429, %get3A_433 : vector<16xf32>
    %get3A_435 = arith.constant 2 : i32
    %get3A_436 = arith.index_cast %get3A_435 : i32 to index
    %get3A_437 = arith.constant 160 : index
    %get3A_438 = tpu.vector_load %arg6[%get3A_436, %get3A_437] {strides = array<i32>} : memref<16x256xf32, #tpu.memory_space<vmem>>, vector<16xf32>,
    %add3A_439 = arith.addf %add3A_434, %get3A_438 : vector<16xf32>
    %get3A_440 = arith.constant 3 : i32
    %get3A_441 = arith.index_cast %get3A_440 : i32 to index
    %get3A_442 = arith.constant 160 : index
    %get3A_443 = tpu.vector_load %arg6[%get3A_441, %get3A_442] {strides = array<i32>} : memref<16x256xf32, #tpu.memory_space<vmem>>, vector<16xf32>,
    %add3A_444 = arith.addf %add3A_439, %get3A_443 : vector<16xf32>
    %get3A_445 = arith.constant 4 : i32
    %get3A_446 = arith.index_cast %get3A_445 : i32 to index
    %get3A_447 = arith.constant 160 : index
    %get3A_448 = tpu.vector_load %arg6[%get3A_446, %get3A_447] {strides = array<i32>} : memref<16x256xf32, #tpu.memory_space<vmem>>, vector<16xf32>,
    %add3A_449 = arith.addf %add3A_444, %get3A_448 : vector<16xf32>
    %get3A_450 = arith.constant 5 : i32
    %get3A_451 = arith.index_cast %get3A_450 : i32 to index
    %get3A_452 = arith.constant 160 : index
    %get3A_453 = tpu.vector_load %arg6[%get3A_451, %get3A_452] {strides = array<i32>} : memref<16x256xf32, #tpu.memory_space<vmem>>, vector<16xf32>,
    %add3A_454 = arith.addf %add3A_449, %get3A_453 : vector<16xf32>
    %get3A_455 = arith.constant 6 : i32
    %get3A_456 = arith.index_cast %get3A_455 : i32 to index
    %get3A_457 = arith.constant 160 : index
    %get3A_458 = tpu.vector_load %arg6[%get3A_456, %get3A_457] {strides = array<i32>} : memref<16x256xf32, #tpu.memory_space<vmem>>, vector<16xf32>,
    %add3A_459 = arith.addf %add3A_454, %get3A_458 : vector<16xf32>
    %get3A_460 = arith.constant 7 : i32
    %get3A_461 = arith.index_cast %get3A_460 : i32 to index
    %get3A_462 = arith.constant 160 : index
    %get3A_463 = tpu.vector_load %arg6[%get3A_461, %get3A_462] {strides = array<i32>} : memref<16x256xf32, #tpu.memory_space<vmem>>, vector<16xf32>,
    %add3A_464 = arith.addf %add3A_459, %get3A_463 : vector<16xf32>
    %mul3A_465 = arith.constant 1.250000e-01 : f32
    %mul3A_466 = vector.broadcast %mul3A_465 : f32 to vector<16xf32>
    %mul3A_467 = arith.mulf %add3A_464, %mul3A_466 : vector<16xf32>
    %get3A_468 = arith.constant 0 : i32
    %get3A_469 = arith.index_cast %get3A_468 : i32 to index
    %get3A_470 = arith.constant 176 : index
    %get3A_471 = tpu.vector_load %arg6[%get3A_469, %get3A_470] {strides = array<i32>} : memref<16x256xf32, #tpu.memory_space<vmem>>, vector<16xf32>,
    %get3A_472 = arith.constant 1 : i32
    %get3A_473 = arith.index_cast %get3A_472 : i32 to index
    %get3A_474 = arith.constant 176 : index
    %get3A_475 = tpu.vector_load %arg6[%get3A_473, %get3A_474] {strides = array<i32>} : memref<16x256xf32, #tpu.memory_space<vmem>>, vector<16xf32>,
    %add3A_476 = arith.addf %get3A_471, %get3A_475 : vector<16xf32>
    %get3A_477 = arith.constant 2 : i32
    %get3A_478 = arith.index_cast %get3A_477 : i32 to index
    %get3A_479 = arith.constant 176 : index
    %get3A_480 = tpu.vector_load %arg6[%get3A_478, %get3A_479] {strides = array<i32>} : memref<16x256xf32, #tpu.memory_space<vmem>>, vector<16xf32>,
    %add3A_481 = arith.addf %add3A_476, %get3A_480 : vector<16xf32>
    %get3A_482 = arith.constant 3 : i32
    %get3A_483 = arith.index_cast %get3A_482 : i32 to index
    %get3A_484 = arith.constant 176 : index
    %get3A_485 = tpu.vector_load %arg6[%get3A_483, %get3A_484] {strides = array<i32>} : memref<16x256xf32, #tpu.memory_space<vmem>>, vector<16xf32>,
    %add3A_486 = arith.addf %add3A_481, %get3A_485 : vector<16xf32>
    %get3A_487 = arith.constant 4 : i32
    %get3A_488 = arith.index_cast %get3A_487 : i32 to index
    %get3A_489 = arith.constant 176 : index
    %get3A_490 = tpu.vector_load %arg6[%get3A_488, %get3A_489] {strides = array<i32>} : memref<16x256xf32, #tpu.memory_space<vmem>>, vector<16xf32>,
    %add3A_491 = arith.addf %add3A_486, %get3A_490 : vector<16xf32>
    %get3A_492 = arith.constant 5 : i32
    %get3A_493 = arith.index_cast %get3A_492 : i32 to index
    %get3A_494 = arith.constant 176 : index
    %get3A_495 = tpu.vector_load %arg6[%get3A_493, %get3A_494] {strides = array<i32>} : memref<16x256xf32, #tpu.memory_space<vmem>>, vector<16xf32>,
    %add3A_496 = arith.addf %add3A_491, %get3A_495 : vector<16xf32>
    %get3A_497 = arith.constant 6 : i32
    %get3A_498 = arith.index_cast %get3A_497 : i32 to index
    %get3A_499 = arith.constant 176 : index
    %get3A_500 = tpu.vector_load %arg6[%get3A_498, %get3A_499] {strides = array<i32>} : memref<16x256xf32, #tpu.memory_space<vmem>>, vector<16xf32>,
    %add3A_501 = arith.addf %add3A_496, %get3A_500 : vector<16xf32>
    %get3A_502 = arith.constant 7 : i32
    %get3A_503 = arith.index_cast %get3A_502 : i32 to index
    %get3A_504 = arith.constant 176 : index
    %get3A_505 = tpu.vector_load %arg6[%get3A_503, %get3A_504] {strides = array<i32>} : memref<16x256xf32, #tpu.memory_space<vmem>>, vector<16xf32>,
    %add3A_506 = arith.addf %add3A_501, %get3A_505 : vector<16xf32>
    %mul3A_507 = arith.constant 1.250000e-01 : f32
    %mul3A_508 = vector.broadcast %mul3A_507 : f32 to vector<16xf32>
    %mul3A_509 = arith.mulf %add3A_506, %mul3A_508 : vector<16xf32>
    %get3A_510 = arith.constant 0 : i32
    %get3A_511 = arith.index_cast %get3A_510 : i32 to index
    %get3A_512 = arith.constant 192 : index
    %get3A_513 = tpu.vector_load %arg6[%get3A_511, %get3A_512] {strides = array<i32>} : memref<16x256xf32, #tpu.memory_space<vmem>>, vector<16xf32>,
    %get3A_514 = arith.constant 1 : i32
    %get3A_515 = arith.index_cast %get3A_514 : i32 to index
    %get3A_516 = arith.constant 192 : index
    %get3A_517 = tpu.vector_load %arg6[%get3A_515, %get3A_516] {strides = array<i32>} : memref<16x256xf32, #tpu.memory_space<vmem>>, vector<16xf32>,
    %add3A_518 = arith.addf %get3A_513, %get3A_517 : vector<16xf32>
    %get3A_519 = arith.constant 2 : i32
    %get3A_520 = arith.index_cast %get3A_519 : i32 to index
    %get3A_521 = arith.constant 192 : index
    %get3A_522 = tpu.vector_load %arg6[%get3A_520, %get3A_521] {strides = array<i32>} : memref<16x256xf32, #tpu.memory_space<vmem>>, vector<16xf32>,
    %add3A_523 = arith.addf %add3A_518, %get3A_522 : vector<16xf32>
    %get3A_524 = arith.constant 3 : i32
    %get3A_525 = arith.index_cast %get3A_524 : i32 to index
    %get3A_526 = arith.constant 192 : index
    %get3A_527 = tpu.vector_load %arg6[%get3A_525, %get3A_526] {strides = array<i32>} : memref<16x256xf32, #tpu.memory_space<vmem>>, vector<16xf32>,
    %add3A_528 = arith.addf %add3A_523, %get3A_527 : vector<16xf32>
    %get3A_529 = arith.constant 4 : i32
    %get3A_530 = arith.index_cast %get3A_529 : i32 to index
    %get3A_531 = arith.constant 192 : index
    %get3A_532 = tpu.vector_load %arg6[%get3A_530, %get3A_531] {strides = array<i32>} : memref<16x256xf32, #tpu.memory_space<vmem>>, vector<16xf32>,
    %add3A_533 = arith.addf %add3A_528, %get3A_532 : vector<16xf32>
    %get3A_534 = arith.constant 5 : i32
    %get3A_535 = arith.index_cast %get3A_534 : i32 to index
    %get3A_536 = arith.constant 192 : index
    %get3A_537 = tpu.vector_load %arg6[%get3A_535, %get3A_536] {strides = array<i32>} : memref<16x256xf32, #tpu.memory_space<vmem>>, vector<16xf32>,
    %add3A_538 = arith.addf %add3A_533, %get3A_537 : vector<16xf32>
    %get3A_539 = arith.constant 6 : i32
    %get3A_540 = arith.index_cast %get3A_539 : i32 to index
    %get3A_541 = arith.constant 192 : index
    %get3A_542 = tpu.vector_load %arg6[%get3A_540, %get3A_541] {strides = array<i32>} : memref<16x256xf32, #tpu.memory_space<vmem>>, vector<16xf32>,
    %add3A_543 = arith.addf %add3A_538, %get3A_542 : vector<16xf32>
    %get3A_544 = arith.constant 7 : i32
    %get3A_545 = arith.index_cast %get3A_544 : i32 to index
    %get3A_546 = arith.constant 192 : index
    %get3A_547 = tpu.vector_load %arg6[%get3A_545, %get3A_546] {strides = array<i32>} : memref<16x256xf32, #tpu.memory_space<vmem>>, vector<16xf32>,
    %add3A_548 = arith.addf %add3A_543, %get3A_547 : vector<16xf32>
    %mul3A_549 = arith.constant 1.250000e-01 : f32
    %mul3A_550 = vector.broadcast %mul3A_549 : f32 to vector<16xf32>
    %mul3A_551 = arith.mulf %add3A_548, %mul3A_550 : vector<16xf32>
    %get3A_552 = arith.constant 0 : i32
    %get3A_553 = arith.index_cast %get3A_552 : i32 to index
    %get3A_554 = arith.constant 208 : index
    %get3A_555 = tpu.vector_load %arg6[%get3A_553, %get3A_554] {strides = array<i32>} : memref<16x256xf32, #tpu.memory_space<vmem>>, vector<16xf32>,
    %get3A_556 = arith.constant 1 : i32
    %get3A_557 = arith.index_cast %get3A_556 : i32 to index
    %get3A_558 = arith.constant 208 : index
    %get3A_559 = tpu.vector_load %arg6[%get3A_557, %get3A_558] {strides = array<i32>} : memref<16x256xf32, #tpu.memory_space<vmem>>, vector<16xf32>,
    %add3A_560 = arith.addf %get3A_555, %get3A_559 : vector<16xf32>
    %get3A_561 = arith.constant 2 : i32
    %get3A_562 = arith.index_cast %get3A_561 : i32 to index
    %get3A_563 = arith.constant 208 : index
    %get3A_564 = tpu.vector_load %arg6[%get3A_562, %get3A_563] {strides = array<i32>} : memref<16x256xf32, #tpu.memory_space<vmem>>, vector<16xf32>,
    %add3A_565 = arith.addf %add3A_560, %get3A_564 : vector<16xf32>
    %get3A_566 = arith.constant 3 : i32
    %get3A_567 = arith.index_cast %get3A_566 : i32 to index
    %get3A_568 = arith.constant 208 : index
    %get3A_569 = tpu.vector_load %arg6[%get3A_567, %get3A_568] {strides = array<i32>} : memref<16x256xf32, #tpu.memory_space<vmem>>, vector<16xf32>,
    %add3A_570 = arith.addf %add3A_565, %get3A_569 : vector<16xf32>
    %get3A_571 = arith.constant 4 : i32
    %get3A_572 = arith.index_cast %get3A_571 : i32 to index
    %get3A_573 = arith.constant 208 : index
    %get3A_574 = tpu.vector_load %arg6[%get3A_572, %get3A_573] {strides = array<i32>} : memref<16x256xf32, #tpu.memory_space<vmem>>, vector<16xf32>,
    %add3A_575 = arith.addf %add3A_570, %get3A_574 : vector<16xf32>
    %get3A_576 = arith.constant 5 : i32
    %get3A_577 = arith.index_cast %get3A_576 : i32 to index
    %get3A_578 = arith.constant 208 : index
    %get3A_579 = tpu.vector_load %arg6[%get3A_577, %get3A_578] {strides = array<i32>} : memref<16x256xf32, #tpu.memory_space<vmem>>, vector<16xf32>,
    %add3A_580 = arith.addf %add3A_575, %get3A_579 : vector<16xf32>
    %get3A_581 = arith.constant 6 : i32
    %get3A_582 = arith.index_cast %get3A_581 : i32 to index
    %get3A_583 = arith.constant 208 : index
    %get3A_584 = tpu.vector_load %arg6[%get3A_582, %get3A_583] {strides = array<i32>} : memref<16x256xf32, #tpu.memory_space<vmem>>, vector<16xf32>,
    %add3A_585 = arith.addf %add3A_580, %get3A_584 : vector<16xf32>
    %get3A_586 = arith.constant 7 : i32
    %get3A_587 = arith.index_cast %get3A_586 : i32 to index
    %get3A_588 = arith.constant 208 : index
    %get3A_589 = tpu.vector_load %arg6[%get3A_587, %get3A_588] {strides = array<i32>} : memref<16x256xf32, #tpu.memory_space<vmem>>, vector<16xf32>,
    %add3A_590 = arith.addf %add3A_585, %get3A_589 : vector<16xf32>
    %mul3A_591 = arith.constant 1.250000e-01 : f32
    %mul3A_592 = vector.broadcast %mul3A_591 : f32 to vector<16xf32>
    %mul3A_593 = arith.mulf %add3A_590, %mul3A_592 : vector<16xf32>
    %get3A_594 = arith.constant 0 : i32
    %get3A_595 = arith.index_cast %get3A_594 : i32 to index
    %get3A_596 = arith.constant 224 : index
    %get3A_597 = tpu.vector_load %arg6[%get3A_595, %get3A_596] {strides = array<i32>} : memref<16x256xf32, #tpu.memory_space<vmem>>, vector<16xf32>,
    %get3A_598 = arith.constant 1 : i32
    %get3A_599 = arith.index_cast %get3A_598 : i32 to index
    %get3A_600 = arith.constant 224 : index
    %get3A_601 = tpu.vector_load %arg6[%get3A_599, %get3A_600] {strides = array<i32>} : memref<16x256xf32, #tpu.memory_space<vmem>>, vector<16xf32>,
    %add3A_602 = arith.addf %get3A_597, %get3A_601 : vector<16xf32>
    %get3A_603 = arith.constant 2 : i32
    %get3A_604 = arith.index_cast %get3A_603 : i32 to index
    %get3A_605 = arith.constant 224 : index
    %get3A_606 = tpu.vector_load %arg6[%get3A_604, %get3A_605] {strides = array<i32>} : memref<16x256xf32, #tpu.memory_space<vmem>>, vector<16xf32>,
    %add3A_607 = arith.addf %add3A_602, %get3A_606 : vector<16xf32>
    %get3A_608 = arith.constant 3 : i32
    %get3A_609 = arith.index_cast %get3A_608 : i32 to index
    %get3A_610 = arith.constant 224 : index
    %get3A_611 = tpu.vector_load %arg6[%get3A_609, %get3A_610] {strides = array<i32>} : memref<16x256xf32, #tpu.memory_space<vmem>>, vector<16xf32>,
    %add3A_612 = arith.addf %add3A_607, %get3A_611 : vector<16xf32>
    %get3A_613 = arith.constant 4 : i32
    %get3A_614 = arith.index_cast %get3A_613 : i32 to index
    %get3A_615 = arith.constant 224 : index
    %get3A_616 = tpu.vector_load %arg6[%get3A_614, %get3A_615] {strides = array<i32>} : memref<16x256xf32, #tpu.memory_space<vmem>>, vector<16xf32>,
    %add3A_617 = arith.addf %add3A_612, %get3A_616 : vector<16xf32>
    %get3A_618 = arith.constant 5 : i32
    %get3A_619 = arith.index_cast %get3A_618 : i32 to index
    %get3A_620 = arith.constant 224 : index
    %get3A_621 = tpu.vector_load %arg6[%get3A_619, %get3A_620] {strides = array<i32>} : memref<16x256xf32, #tpu.memory_space<vmem>>, vector<16xf32>,
    %add3A_622 = arith.addf %add3A_617, %get3A_621 : vector<16xf32>
    %get3A_623 = arith.constant 6 : i32
    %get3A_624 = arith.index_cast %get3A_623 : i32 to index
    %get3A_625 = arith.constant 224 : index
    %get3A_626 = tpu.vector_load %arg6[%get3A_624, %get3A_625] {strides = array<i32>} : memref<16x256xf32, #tpu.memory_space<vmem>>, vector<16xf32>,
    %add3A_627 = arith.addf %add3A_622, %get3A_626 : vector<16xf32>
    %get3A_628 = arith.constant 7 : i32
    %get3A_629 = arith.index_cast %get3A_628 : i32 to index
    %get3A_630 = arith.constant 224 : index
    %get3A_631 = tpu.vector_load %arg6[%get3A_629, %get3A_630] {strides = array<i32>} : memref<16x256xf32, #tpu.memory_space<vmem>>, vector<16xf32>,
    %add3A_632 = arith.addf %add3A_627, %get3A_631 : vector<16xf32>
    %mul3A_633 = arith.constant 1.250000e-01 : f32
    %mul3A_634 = vector.broadcast %mul3A_633 : f32 to vector<16xf32>
    %mul3A_635 = arith.mulf %add3A_632, %mul3A_634 : vector<16xf32>
    %get3A_636 = arith.constant 0 : i32
    %get3A_637 = arith.index_cast %get3A_636 : i32 to index
    %get3A_638 = arith.constant 240 : index
    %get3A_639 = tpu.vector_load %arg6[%get3A_637, %get3A_638] {strides = array<i32>} : memref<16x256xf32, #tpu.memory_space<vmem>>, vector<16xf32>,
    %get3A_640 = arith.constant 1 : i32
    %get3A_641 = arith.index_cast %get3A_640 : i32 to index
    %get3A_642 = arith.constant 240 : index
    %get3A_643 = tpu.vector_load %arg6[%get3A_641, %get3A_642] {strides = array<i32>} : memref<16x256xf32, #tpu.memory_space<vmem>>, vector<16xf32>,
    %add3A_644 = arith.addf %get3A_639, %get3A_643 : vector<16xf32>
    %get3A_645 = arith.constant 2 : i32
    %get3A_646 = arith.index_cast %get3A_645 : i32 to index
    %get3A_647 = arith.constant 240 : index
    %get3A_648 = tpu.vector_load %arg6[%get3A_646, %get3A_647] {strides = array<i32>} : memref<16x256xf32, #tpu.memory_space<vmem>>, vector<16xf32>,
    %add3A_649 = arith.addf %add3A_644, %get3A_648 : vector<16xf32>
    %get3A_650 = arith.constant 3 : i32
    %get3A_651 = arith.index_cast %get3A_650 : i32 to index
    %get3A_652 = arith.constant 240 : index
    %get3A_653 = tpu.vector_load %arg6[%get3A_651, %get3A_652] {strides = array<i32>} : memref<16x256xf32, #tpu.memory_space<vmem>>, vector<16xf32>,
    %add3A_654 = arith.addf %add3A_649, %get3A_653 : vector<16xf32>
    %get3A_655 = arith.constant 4 : i32
    %get3A_656 = arith.index_cast %get3A_655 : i32 to index
    %get3A_657 = arith.constant 240 : index
    %get3A_658 = tpu.vector_load %arg6[%get3A_656, %get3A_657] {strides = array<i32>} : memref<16x256xf32, #tpu.memory_space<vmem>>, vector<16xf32>,
    %add3A_659 = arith.addf %add3A_654, %get3A_658 : vector<16xf32>
    %get3A_660 = arith.constant 5 : i32
    %get3A_661 = arith.index_cast %get3A_660 : i32 to index
    %get3A_662 = arith.constant 240 : index
    %get3A_663 = tpu.vector_load %arg6[%get3A_661, %get3A_662] {strides = array<i32>} : memref<16x256xf32, #tpu.memory_space<vmem>>, vector<16xf32>,
    %add3A_664 = arith.addf %add3A_659, %get3A_663 : vector<16xf32>
    %get3A_665 = arith.constant 6 : i32
    %get3A_666 = arith.index_cast %get3A_665 : i32 to index
    %get3A_667 = arith.constant 240 : index
    %get3A_668 = tpu.vector_load %arg6[%get3A_666, %get3A_667] {strides = array<i32>} : memref<16x256xf32, #tpu.memory_space<vmem>>, vector<16xf32>,
    %add3A_669 = arith.addf %add3A_664, %get3A_668 : vector<16xf32>
    %get3A_670 = arith.constant 7 : i32
    %get3A_671 = arith.index_cast %get3A_670 : i32 to index
    %get3A_672 = arith.constant 240 : index
    %get3A_673 = tpu.vector_load %arg6[%get3A_671, %get3A_672] {strides = array<i32>} : memref<16x256xf32, #tpu.memory_space<vmem>>, vector<16xf32>,
    %add3A_674 = arith.addf %add3A_669, %get3A_673 : vector<16xf32>
    %mul3A_675 = arith.constant 1.250000e-01 : f32
    %mul3A_676 = vector.broadcast %mul3A_675 : f32 to vector<16xf32>
    %mul3A_677 = arith.mulf %add3A_674, %mul3A_676 : vector<16xf32>
    %max3A = arith.maximumf %mul3A_47, %mul3A_89 : vector<16xf32>
    %max3A_678 = arith.maximumf %max3A, %mul3A_131 : vector<16xf32>
    %max3A_679 = arith.maximumf %max3A_678, %mul3A_173 : vector<16xf32>
    %max3A_680 = arith.maximumf %max3A_679, %mul3A_215 : vector<16xf32>
    %max3A_681 = arith.maximumf %max3A_680, %mul3A_257 : vector<16xf32>
    %max3A_682 = arith.maximumf %max3A_681, %mul3A_299 : vector<16xf32>
    %max3A_683 = arith.maximumf %max3A_682, %mul3A_341 : vector<16xf32>
    %max3A_684 = arith.maximumf %max3A_683, %mul3A_383 : vector<16xf32>
    %max3A_685 = arith.maximumf %max3A_684, %mul3A_425 : vector<16xf32>
    %max3A_686 = arith.maximumf %max3A_685, %mul3A_467 : vector<16xf32>
    %max3A_687 = arith.maximumf %max3A_686, %mul3A_509 : vector<16xf32>
    %max3A_688 = arith.maximumf %max3A_687, %mul3A_551 : vector<16xf32>
    %max3A_689 = arith.maximumf %max3A_688, %mul3A_593 : vector<16xf32>
    %max3A_690 = arith.maximumf %max3A_689, %mul3A_635 : vector<16xf32>
    %max3A_691 = arith.maximumf %max3A_690, %mul3A_677 : vector<16xf32>
    %reduce_max3A = arith.constant true
    %reduce_max3A_692 = vector.broadcast %reduce_max3A : i1 to vector<16xi1>
    %reduce_max3A_693 = tpu.scan <max>, %max3A_691 masked %reduce_max3A_692 : vector<16xf32>, vector<16xi1> -> vector<16xf32>
    %reduce_max3A_694 = vector.extract %reduce_max3A_693[15] : f32 from vector<16xf32>
    %sub3A = vector.broadcast %reduce_max3A_694 : f32 to vector<16xf32>
    %sub3A_695 = arith.subf %mul3A_47, %sub3A : vector<16xf32>
    %exp3A = math.exp %sub3A_695 : vector<16xf32>
    %sub3A_696 = vector.broadcast %reduce_max3A_694 : f32 to vector<16xf32>
    %sub3A_697 = arith.subf %mul3A_89, %sub3A_696 : vector<16xf32>
    %exp3A_698 = math.exp %sub3A_697 : vector<16xf32>
    %sub3A_699 = vector.broadcast %reduce_max3A_694 : f32 to vector<16xf32>
    %sub3A_700 = arith.subf %mul3A_131, %sub3A_699 : vector<16xf32>
    %exp3A_701 = math.exp %sub3A_700 : vector<16xf32>
    %sub3A_702 = vector.broadcast %reduce_max3A_694 : f32 to vector<16xf32>
    %sub3A_703 = arith.subf %mul3A_173, %sub3A_702 : vector<16xf32>
    %exp3A_704 = math.exp %sub3A_703 : vector<16xf32>
    %sub3A_705 = vector.broadcast %reduce_max3A_694 : f32 to vector<16xf32>
    %sub3A_706 = arith.subf %mul3A_215, %sub3A_705 : vector<16xf32>
    %exp3A_707 = math.exp %sub3A_706 : vector<16xf32>
    %sub3A_708 = vector.broadcast %reduce_max3A_694 : f32 to vector<16xf32>
    %sub3A_709 = arith.subf %mul3A_257, %sub3A_708 : vector<16xf32>
    %exp3A_710 = math.exp %sub3A_709 : vector<16xf32>
    %sub3A_711 = vector.broadcast %reduce_max3A_694 : f32 to vector<16xf32>
    %sub3A_712 = arith.subf %mul3A_299, %sub3A_711 : vector<16xf32>
    %exp3A_713 = math.exp %sub3A_712 : vector<16xf32>
    %sub3A_714 = vector.broadcast %reduce_max3A_694 : f32 to vector<16xf32>
    %sub3A_715 = arith.subf %mul3A_341, %sub3A_714 : vector<16xf32>
    %exp3A_716 = math.exp %sub3A_715 : vector<16xf32>
    %sub3A_717 = vector.broadcast %reduce_max3A_694 : f32 to vector<16xf32>
    %sub3A_718 = arith.subf %mul3A_383, %sub3A_717 : vector<16xf32>
    %exp3A_719 = math.exp %sub3A_718 : vector<16xf32>
    %sub3A_720 = vector.broadcast %reduce_max3A_694 : f32 to vector<16xf32>
    %sub3A_721 = arith.subf %mul3A_425, %sub3A_720 : vector<16xf32>
    %exp3A_722 = math.exp %sub3A_721 : vector<16xf32>
    %sub3A_723 = vector.broadcast %reduce_max3A_694 : f32 to vector<16xf32>
    %sub3A_724 = arith.subf %mul3A_467, %sub3A_723 : vector<16xf32>
    %exp3A_725 = math.exp %sub3A_724 : vector<16xf32>
    %sub3A_726 = vector.broadcast %reduce_max3A_694 : f32 to vector<16xf32>
    %sub3A_727 = arith.subf %mul3A_509, %sub3A_726 : vector<16xf32>
    %exp3A_728 = math.exp %sub3A_727 : vector<16xf32>
    %sub3A_729 = vector.broadcast %reduce_max3A_694 : f32 to vector<16xf32>
    %sub3A_730 = arith.subf %mul3A_551, %sub3A_729 : vector<16xf32>
    %exp3A_731 = math.exp %sub3A_730 : vector<16xf32>
    %sub3A_732 = vector.broadcast %reduce_max3A_694 : f32 to vector<16xf32>
    %sub3A_733 = arith.subf %mul3A_593, %sub3A_732 : vector<16xf32>
    %exp3A_734 = math.exp %sub3A_733 : vector<16xf32>
    %sub3A_735 = vector.broadcast %reduce_max3A_694 : f32 to vector<16xf32>
    %sub3A_736 = arith.subf %mul3A_635, %sub3A_735 : vector<16xf32>
    %exp3A_737 = math.exp %sub3A_736 : vector<16xf32>
    %sub3A_738 = vector.broadcast %reduce_max3A_694 : f32 to vector<16xf32>
    %sub3A_739 = arith.subf %mul3A_677, %sub3A_738 : vector<16xf32>
    %exp3A_740 = math.exp %sub3A_739 : vector<16xf32>
    %add3A_741 = arith.addf %exp3A, %exp3A_698 : vector<16xf32>
    %add3A_742 = arith.addf %add3A_741, %exp3A_701 : vector<16xf32>
    %add3A_743 = arith.addf %add3A_742, %exp3A_704 : vector<16xf32>
    %add3A_744 = arith.addf %add3A_743, %exp3A_707 : vector<16xf32>
    %add3A_745 = arith.addf %add3A_744, %exp3A_710 : vector<16xf32>
    %add3A_746 = arith.addf %add3A_745, %exp3A_713 : vector<16xf32>
    %add3A_747 = arith.addf %add3A_746, %exp3A_716 : vector<16xf32>
    %add3A_748 = arith.addf %add3A_747, %exp3A_719 : vector<16xf32>
    %add3A_749 = arith.addf %add3A_748, %exp3A_722 : vector<16xf32>
    %add3A_750 = arith.addf %add3A_749, %exp3A_725 : vector<16xf32>
    %add3A_751 = arith.addf %add3A_750, %exp3A_728 : vector<16xf32>
    %add3A_752 = arith.addf %add3A_751, %exp3A_731 : vector<16xf32>
    %add3A_753 = arith.addf %add3A_752, %exp3A_734 : vector<16xf32>
    %add3A_754 = arith.addf %add3A_753, %exp3A_737 : vector<16xf32>
    %add3A_755 = arith.addf %add3A_754, %exp3A_740 : vector<16xf32>
    %reduce_sum3A = arith.constant true
    %reduce_sum3A_756 = vector.broadcast %reduce_sum3A : i1 to vector<16xi1>
    %reduce_sum3A_757 = tpu.scan <sum>, %add3A_755 masked %reduce_sum3A_756 : vector<16xf32>, vector<16xi1> -> vector<16xf32>
    %reduce_sum3A_758 = vector.extract %reduce_sum3A_757[15] : f32 from vector<16xf32>
    %div3A = vector.broadcast %reduce_sum3A_758 : f32 to vector<16xf32>
    %div3A_759 = arith.divf %exp3A, %div3A : vector<16xf32>
    %swap3A = arith.constant 0 : i32
    %swap3A_760 = arith.index_cast %swap3A : i32 to index
    %swap3A_761 = arith.constant 0 : index
    %swap3A_762 = tpu.vector_load %arg7[%swap3A_760, %swap3A_761] {strides = array<i32>} : memref<2x256xf32, #tpu.memory_space<vmem>>, vector<16xf32>,
    tpu.vector_store %arg7[%swap3A_760, %swap3A_761], %div3A_759 {strides = array<i32>} : memref<2x256xf32, #tpu.memory_space<vmem>>, vector<16xf32>,
    %div3A_763 = vector.broadcast %reduce_sum3A_758 : f32 to vector<16xf32>
    %div3A_764 = arith.divf %exp3A_698, %div3A_763 : vector<16xf32>
    %swap3A_765 = arith.constant 0 : i32
    %swap3A_766 = arith.index_cast %swap3A_765 : i32 to index
    %swap3A_767 = arith.constant 16 : index
    %swap3A_768 = tpu.vector_load %arg7[%swap3A_766, %swap3A_767] {strides = array<i32>} : memref<2x256xf32, #tpu.memory_space<vmem>>, vector<16xf32>,
    tpu.vector_store %arg7[%swap3A_766, %swap3A_767], %div3A_764 {strides = array<i32>} : memref<2x256xf32, #tpu.memory_space<vmem>>, vector<16xf32>,
    %div3A_769 = vector.broadcast %reduce_sum3A_758 : f32 to vector<16xf32>
    %div3A_770 = arith.divf %exp3A_701, %div3A_769 : vector<16xf32>
    %swap3A_771 = arith.constant 0 : i32
    %swap3A_772 = arith.index_cast %swap3A_771 : i32 to index
    %swap3A_773 = arith.constant 32 : index
    %swap3A_774 = tpu.vector_load %arg7[%swap3A_772, %swap3A_773] {strides = array<i32>} : memref<2x256xf32, #tpu.memory_space<vmem>>, vector<16xf32>,
    tpu.vector_store %arg7[%swap3A_772, %swap3A_773], %div3A_770 {strides = array<i32>} : memref<2x256xf32, #tpu.memory_space<vmem>>, vector<16xf32>,
    %div3A_775 = vector.broadcast %reduce_sum3A_758 : f32 to vector<16xf32>
    %div3A_776 = arith.divf %exp3A_704, %div3A_775 : vector<16xf32>
    %swap3A_777 = arith.constant 0 : i32
    %swap3A_778 = arith.index_cast %swap3A_777 : i32 to index
    %swap3A_779 = arith.constant 48 : index
    %swap3A_780 = tpu.vector_load %arg7[%swap3A_778, %swap3A_779] {strides = array<i32>} : memref<2x256xf32, #tpu.memory_space<vmem>>, vector<16xf32>,
    tpu.vector_store %arg7[%swap3A_778, %swap3A_779], %div3A_776 {strides = array<i32>} : memref<2x256xf32, #tpu.memory_space<vmem>>, vector<16xf32>,
    %div3A_781 = vector.broadcast %reduce_sum3A_758 : f32 to vector<16xf32>
    %div3A_782 = arith.divf %exp3A_707, %div3A_781 : vector<16xf32>
    %swap3A_783 = arith.constant 0 : i32
    %swap3A_784 = arith.index_cast %swap3A_783 : i32 to index
    %swap3A_785 = arith.constant 64 : index
    %swap3A_786 = tpu.vector_load %arg7[%swap3A_784, %swap3A_785] {strides = array<i32>} : memref<2x256xf32, #tpu.memory_space<vmem>>, vector<16xf32>,
    tpu.vector_store %arg7[%swap3A_784, %swap3A_785], %div3A_782 {strides = array<i32>} : memref<2x256xf32, #tpu.memory_space<vmem>>, vector<16xf32>,
    %div3A_787 = vector.broadcast %reduce_sum3A_758 : f32 to vector<16xf32>
    %div3A_788 = arith.divf %exp3A_710, %div3A_787 : vector<16xf32>
    %swap3A_789 = arith.constant 0 : i32
    %swap3A_790 = arith.index_cast %swap3A_789 : i32 to index
    %swap3A_791 = arith.constant 80 : index
    %swap3A_792 = tpu.vector_load %arg7[%swap3A_790, %swap3A_791] {strides = array<i32>} : memref<2x256xf32, #tpu.memory_space<vmem>>, vector<16xf32>,
    tpu.vector_store %arg7[%swap3A_790, %swap3A_791], %div3A_788 {strides = array<i32>} : memref<2x256xf32, #tpu.memory_space<vmem>>, vector<16xf32>,
    %div3A_793 = vector.broadcast %reduce_sum3A_758 : f32 to vector<16xf32>
    %div3A_794 = arith.divf %exp3A_713, %div3A_793 : vector<16xf32>
    %swap3A_795 = arith.constant 0 : i32
    %swap3A_796 = arith.index_cast %swap3A_795 : i32 to index
    %swap3A_797 = arith.constant 96 : index
    %swap3A_798 = tpu.vector_load %arg7[%swap3A_796, %swap3A_797] {strides = array<i32>} : memref<2x256xf32, #tpu.memory_space<vmem>>, vector<16xf32>,
    tpu.vector_store %arg7[%swap3A_796, %swap3A_797], %div3A_794 {strides = array<i32>} : memref<2x256xf32, #tpu.memory_space<vmem>>, vector<16xf32>,
    %div3A_799 = vector.broadcast %reduce_sum3A_758 : f32 to vector<16xf32>
    %div3A_800 = arith.divf %exp3A_716, %div3A_799 : vector<16xf32>
    %swap3A_801 = arith.constant 0 : i32
    %swap3A_802 = arith.index_cast %swap3A_801 : i32 to index
    %swap3A_803 = arith.constant 112 : index
    %swap3A_804 = tpu.vector_load %arg7[%swap3A_802, %swap3A_803] {strides = array<i32>} : memref<2x256xf32, #tpu.memory_space<vmem>>, vector<16xf32>,
    tpu.vector_store %arg7[%swap3A_802, %swap3A_803], %div3A_800 {strides = array<i32>} : memref<2x256xf32, #tpu.memory_space<vmem>>, vector<16xf32>,
    %div3A_805 = vector.broadcast %reduce_sum3A_758 : f32 to vector<16xf32>
    %div3A_806 = arith.divf %exp3A_719, %div3A_805 : vector<16xf32>
    %swap3A_807 = arith.constant 0 : i32
    %swap3A_808 = arith.index_cast %swap3A_807 : i32 to index
    %swap3A_809 = arith.constant 128 : index
    %swap3A_810 = tpu.vector_load %arg7[%swap3A_808, %swap3A_809] {strides = array<i32>} : memref<2x256xf32, #tpu.memory_space<vmem>>, vector<16xf32>,
    tpu.vector_store %arg7[%swap3A_808, %swap3A_809], %div3A_806 {strides = array<i32>} : memref<2x256xf32, #tpu.memory_space<vmem>>, vector<16xf32>,
    %div3A_811 = vector.broadcast %reduce_sum3A_758 : f32 to vector<16xf32>
    %div3A_812 = arith.divf %exp3A_722, %div3A_811 : vector<16xf32>
    %swap3A_813 = arith.constant 0 : i32
    %swap3A_814 = arith.index_cast %swap3A_813 : i32 to index
    %swap3A_815 = arith.constant 144 : index
    %swap3A_816 = tpu.vector_load %arg7[%swap3A_814, %swap3A_815] {strides = array<i32>} : memref<2x256xf32, #tpu.memory_space<vmem>>, vector<16xf32>,
    tpu.vector_store %arg7[%swap3A_814, %swap3A_815], %div3A_812 {strides = array<i32>} : memref<2x256xf32, #tpu.memory_space<vmem>>, vector<16xf32>,
    %div3A_817 = vector.broadcast %reduce_sum3A_758 : f32 to vector<16xf32>
    %div3A_818 = arith.divf %exp3A_725, %div3A_817 : vector<16xf32>
    %swap3A_819 = arith.constant 0 : i32
    %swap3A_820 = arith.index_cast %swap3A_819 : i32 to index
    %swap3A_821 = arith.constant 160 : index
    %swap3A_822 = tpu.vector_load %arg7[%swap3A_820, %swap3A_821] {strides = array<i32>} : memref<2x256xf32, #tpu.memory_space<vmem>>, vector<16xf32>,
    tpu.vector_store %arg7[%swap3A_820, %swap3A_821], %div3A_818 {strides = array<i32>} : memref<2x256xf32, #tpu.memory_space<vmem>>, vector<16xf32>,
    %div3A_823 = vector.broadcast %reduce_sum3A_758 : f32 to vector<16xf32>
    %div3A_824 = arith.divf %exp3A_728, %div3A_823 : vector<16xf32>
    %swap3A_825 = arith.constant 0 : i32
    %swap3A_826 = arith.index_cast %swap3A_825 : i32 to index
    %swap3A_827 = arith.constant 176 : index
    %swap3A_828 = tpu.vector_load %arg7[%swap3A_826, %swap3A_827] {strides = array<i32>} : memref<2x256xf32, #tpu.memory_space<vmem>>, vector<16xf32>,
    tpu.vector_store %arg7[%swap3A_826, %swap3A_827], %div3A_824 {strides = array<i32>} : memref<2x256xf32, #tpu.memory_space<vmem>>, vector<16xf32>,
    %div3A_829 = vector.broadcast %reduce_sum3A_758 : f32 to vector<16xf32>
    %div3A_830 = arith.divf %exp3A_731, %div3A_829 : vector<16xf32>
    %swap3A_831 = arith.constant 0 : i32
    %swap3A_832 = arith.index_cast %swap3A_831 : i32 to index
    %swap3A_833 = arith.constant 192 : index
    %swap3A_834 = tpu.vector_load %arg7[%swap3A_832, %swap3A_833] {strides = array<i32>} : memref<2x256xf32, #tpu.memory_space<vmem>>, vector<16xf32>,
    tpu.vector_store %arg7[%swap3A_832, %swap3A_833], %div3A_830 {strides = array<i32>} : memref<2x256xf32, #tpu.memory_space<vmem>>, vector<16xf32>,
    %div3A_835 = vector.broadcast %reduce_sum3A_758 : f32 to vector<16xf32>
    %div3A_836 = arith.divf %exp3A_734, %div3A_835 : vector<16xf32>
    %swap3A_837 = arith.constant 0 : i32
    %swap3A_838 = arith.index_cast %swap3A_837 : i32 to index
    %swap3A_839 = arith.constant 208 : index
    %swap3A_840 = tpu.vector_load %arg7[%swap3A_838, %swap3A_839] {strides = array<i32>} : memref<2x256xf32, #tpu.memory_space<vmem>>, vector<16xf32>,
    tpu.vector_store %arg7[%swap3A_838, %swap3A_839], %div3A_836 {strides = array<i32>} : memref<2x256xf32, #tpu.memory_space<vmem>>, vector<16xf32>,
    %div3A_841 = vector.broadcast %reduce_sum3A_758 : f32 to vector<16xf32>
    %div3A_842 = arith.divf %exp3A_737, %div3A_841 : vector<16xf32>
    %swap3A_843 = arith.constant 0 : i32
    %swap3A_844 = arith.index_cast %swap3A_843 : i32 to index
    %swap3A_845 = arith.constant 224 : index
    %swap3A_846 = tpu.vector_load %arg7[%swap3A_844, %swap3A_845] {strides = array<i32>} : memref<2x256xf32, #tpu.memory_space<vmem>>, vector<16xf32>,
    tpu.vector_store %arg7[%swap3A_844, %swap3A_845], %div3A_842 {strides = array<i32>} : memref<2x256xf32, #tpu.memory_space<vmem>>, vector<16xf32>,
    %div3A_847 = vector.broadcast %reduce_sum3A_758 : f32 to vector<16xf32>
    %div3A_848 = arith.divf %exp3A_740, %div3A_847 : vector<16xf32>
    %swap3A_849 = arith.constant 0 : i32
    %swap3A_850 = arith.index_cast %swap3A_849 : i32 to index
    %swap3A_851 = arith.constant 240 : index
    %swap3A_852 = tpu.vector_load %arg7[%swap3A_850, %swap3A_851] {strides = array<i32>} : memref<2x256xf32, #tpu.memory_space<vmem>>, vector<16xf32>,
    tpu.vector_store %arg7[%swap3A_850, %swap3A_851], %div3A_848 {strides = array<i32>} : memref<2x256xf32, #tpu.memory_space<vmem>>, vector<16xf32>,
    %get3A_853 = arith.constant 8 : i32
    %get3A_854 = arith.index_cast %get3A_853 : i32 to index
    %get3A_855 = arith.constant 0 : index
    %get3A_856 = tpu.vector_load %arg6[%get3A_854, %get3A_855] {strides = array<i32>} : memref<16x256xf32, #tpu.memory_space<vmem>>, vector<16xf32>,
    %get3A_857 = arith.constant 9 : i32
    %get3A_858 = arith.index_cast %get3A_857 : i32 to index
    %get3A_859 = arith.constant 0 : index
    %get3A_860 = tpu.vector_load %arg6[%get3A_858, %get3A_859] {strides = array<i32>} : memref<16x256xf32, #tpu.memory_space<vmem>>, vector<16xf32>,
    %add3A_861 = arith.addf %get3A_856, %get3A_860 : vector<16xf32>
    %get3A_862 = arith.constant 10 : i32
    %get3A_863 = arith.index_cast %get3A_862 : i32 to index
    %get3A_864 = arith.constant 0 : index
    %get3A_865 = tpu.vector_load %arg6[%get3A_863, %get3A_864] {strides = array<i32>} : memref<16x256xf32, #tpu.memory_space<vmem>>, vector<16xf32>,
    %add3A_866 = arith.addf %add3A_861, %get3A_865 : vector<16xf32>
    %get3A_867 = arith.constant 11 : i32
    %get3A_868 = arith.index_cast %get3A_867 : i32 to index
    %get3A_869 = arith.constant 0 : index
    %get3A_870 = tpu.vector_load %arg6[%get3A_868, %get3A_869] {strides = array<i32>} : memref<16x256xf32, #tpu.memory_space<vmem>>, vector<16xf32>,
    %add3A_871 = arith.addf %add3A_866, %get3A_870 : vector<16xf32>
    %get3A_872 = arith.constant 12 : i32
    %get3A_873 = arith.index_cast %get3A_872 : i32 to index
    %get3A_874 = arith.constant 0 : index
    %get3A_875 = tpu.vector_load %arg6[%get3A_873, %get3A_874] {strides = array<i32>} : memref<16x256xf32, #tpu.memory_space<vmem>>, vector<16xf32>,
    %add3A_876 = arith.addf %add3A_871, %get3A_875 : vector<16xf32>
    %get3A_877 = arith.constant 13 : i32
    %get3A_878 = arith.index_cast %get3A_877 : i32 to index
    %get3A_879 = arith.constant 0 : index
    %get3A_880 = tpu.vector_load %arg6[%get3A_878, %get3A_879] {strides = array<i32>} : memref<16x256xf32, #tpu.memory_space<vmem>>, vector<16xf32>,
    %add3A_881 = arith.addf %add3A_876, %get3A_880 : vector<16xf32>
    %get3A_882 = arith.constant 14 : i32
    %get3A_883 = arith.index_cast %get3A_882 : i32 to index
    %get3A_884 = arith.constant 0 : index
    %get3A_885 = tpu.vector_load %arg6[%get3A_883, %get3A_884] {strides = array<i32>} : memref<16x256xf32, #tpu.memory_space<vmem>>, vector<16xf32>,
    %add3A_886 = arith.addf %add3A_881, %get3A_885 : vector<16xf32>
    %get3A_887 = arith.constant 15 : i32
    %get3A_888 = arith.index_cast %get3A_887 : i32 to index
    %get3A_889 = arith.constant 0 : index
    %get3A_890 = tpu.vector_load %arg6[%get3A_888, %get3A_889] {strides = array<i32>} : memref<16x256xf32, #tpu.memory_space<vmem>>, vector<16xf32>,
    %add3A_891 = arith.addf %add3A_886, %get3A_890 : vector<16xf32>
    %mul3A_892 = arith.constant 1.250000e-01 : f32
    %mul3A_893 = vector.broadcast %mul3A_892 : f32 to vector<16xf32>
    %mul3A_894 = arith.mulf %add3A_891, %mul3A_893 : vector<16xf32>
    %get3A_895 = arith.constant 8 : i32
    %get3A_896 = arith.index_cast %get3A_895 : i32 to index
    %get3A_897 = arith.constant 16 : index
    %get3A_898 = tpu.vector_load %arg6[%get3A_896, %get3A_897] {strides = array<i32>} : memref<16x256xf32, #tpu.memory_space<vmem>>, vector<16xf32>,
    %get3A_899 = arith.constant 9 : i32
    %get3A_900 = arith.index_cast %get3A_899 : i32 to index
    %get3A_901 = arith.constant 16 : index
    %get3A_902 = tpu.vector_load %arg6[%get3A_900, %get3A_901] {strides = array<i32>} : memref<16x256xf32, #tpu.memory_space<vmem>>, vector<16xf32>,
    %add3A_903 = arith.addf %get3A_898, %get3A_902 : vector<16xf32>
    %get3A_904 = arith.constant 10 : i32
    %get3A_905 = arith.index_cast %get3A_904 : i32 to index
    %get3A_906 = arith.constant 16 : index
    %get3A_907 = tpu.vector_load %arg6[%get3A_905, %get3A_906] {strides = array<i32>} : memref<16x256xf32, #tpu.memory_space<vmem>>, vector<16xf32>,
    %add3A_908 = arith.addf %add3A_903, %get3A_907 : vector<16xf32>
    %get3A_909 = arith.constant 11 : i32
    %get3A_910 = arith.index_cast %get3A_909 : i32 to index
    %get3A_911 = arith.constant 16 : index
    %get3A_912 = tpu.vector_load %arg6[%get3A_910, %get3A_911] {strides = array<i32>} : memref<16x256xf32, #tpu.memory_space<vmem>>, vector<16xf32>,
    %add3A_913 = arith.addf %add3A_908, %get3A_912 : vector<16xf32>
    %get3A_914 = arith.constant 12 : i32
    %get3A_915 = arith.index_cast %get3A_914 : i32 to index
    %get3A_916 = arith.constant 16 : index
    %get3A_917 = tpu.vector_load %arg6[%get3A_915, %get3A_916] {strides = array<i32>} : memref<16x256xf32, #tpu.memory_space<vmem>>, vector<16xf32>,
    %add3A_918 = arith.addf %add3A_913, %get3A_917 : vector<16xf32>
    %get3A_919 = arith.constant 13 : i32
    %get3A_920 = arith.index_cast %get3A_919 : i32 to index
    %get3A_921 = arith.constant 16 : index
    %get3A_922 = tpu.vector_load %arg6[%get3A_920, %get3A_921] {strides = array<i32>} : memref<16x256xf32, #tpu.memory_space<vmem>>, vector<16xf32>,
    %add3A_923 = arith.addf %add3A_918, %get3A_922 : vector<16xf32>
    %get3A_924 = arith.constant 14 : i32
    %get3A_925 = arith.index_cast %get3A_924 : i32 to index
    %get3A_926 = arith.constant 16 : index
    %get3A_927 = tpu.vector_load %arg6[%get3A_925, %get3A_926] {strides = array<i32>} : memref<16x256xf32, #tpu.memory_space<vmem>>, vector<16xf32>,
    %add3A_928 = arith.addf %add3A_923, %get3A_927 : vector<16xf32>
    %get3A_929 = arith.constant 15 : i32
    %get3A_930 = arith.index_cast %get3A_929 : i32 to index
    %get3A_931 = arith.constant 16 : index
    %get3A_932 = tpu.vector_load %arg6[%get3A_930, %get3A_931] {strides = array<i32>} : memref<16x256xf32, #tpu.memory_space<vmem>>, vector<16xf32>,
    %add3A_933 = arith.addf %add3A_928, %get3A_932 : vector<16xf32>
    %mul3A_934 = arith.constant 1.250000e-01 : f32
    %mul3A_935 = vector.broadcast %mul3A_934 : f32 to vector<16xf32>
    %mul3A_936 = arith.mulf %add3A_933, %mul3A_935 : vector<16xf32>
    %get3A_937 = arith.constant 8 : i32
    %get3A_938 = arith.index_cast %get3A_937 : i32 to index
    %get3A_939 = arith.constant 32 : index
    %get3A_940 = tpu.vector_load %arg6[%get3A_938, %get3A_939] {strides = array<i32>} : memref<16x256xf32, #tpu.memory_space<vmem>>, vector<16xf32>,
    %get3A_941 = arith.constant 9 : i32
    %get3A_942 = arith.index_cast %get3A_941 : i32 to index
    %get3A_943 = arith.constant 32 : index
    %get3A_944 = tpu.vector_load %arg6[%get3A_942, %get3A_943] {strides = array<i32>} : memref<16x256xf32, #tpu.memory_space<vmem>>, vector<16xf32>,
    %add3A_945 = arith.addf %get3A_940, %get3A_944 : vector<16xf32>
    %get3A_946 = arith.constant 10 : i32
    %get3A_947 = arith.index_cast %get3A_946 : i32 to index
    %get3A_948 = arith.constant 32 : index
    %get3A_949 = tpu.vector_load %arg6[%get3A_947, %get3A_948] {strides = array<i32>} : memref<16x256xf32, #tpu.memory_space<vmem>>, vector<16xf32>,
    %add3A_950 = arith.addf %add3A_945, %get3A_949 : vector<16xf32>
    %get3A_951 = arith.constant 11 : i32
    %get3A_952 = arith.index_cast %get3A_951 : i32 to index
    %get3A_953 = arith.constant 32 : index
    %get3A_954 = tpu.vector_load %arg6[%get3A_952, %get3A_953] {strides = array<i32>} : memref<16x256xf32, #tpu.memory_space<vmem>>, vector<16xf32>,
    %add3A_955 = arith.addf %add3A_950, %get3A_954 : vector<16xf32>
    %get3A_956 = arith.constant 12 : i32
    %get3A_957 = arith.index_cast %get3A_956 : i32 to index
    %get3A_958 = arith.constant 32 : index
    %get3A_959 = tpu.vector_load %arg6[%get3A_957, %get3A_958] {strides = array<i32>} : memref<16x256xf32, #tpu.memory_space<vmem>>, vector<16xf32>,
    %add3A_960 = arith.addf %add3A_955, %get3A_959 : vector<16xf32>
    %get3A_961 = arith.constant 13 : i32
    %get3A_962 = arith.index_cast %get3A_961 : i32 to index
    %get3A_963 = arith.constant 32 : index
    %get3A_964 = tpu.vector_load %arg6[%get3A_962, %get3A_963] {strides = array<i32>} : memref<16x256xf32, #tpu.memory_space<vmem>>, vector<16xf32>,
    %add3A_965 = arith.addf %add3A_960, %get3A_964 : vector<16xf32>
    %get3A_966 = arith.constant 14 : i32
    %get3A_967 = arith.index_cast %get3A_966 : i32 to index
    %get3A_968 = arith.constant 32 : index
    %get3A_969 = tpu.vector_load %arg6[%get3A_967, %get3A_968] {strides = array<i32>} : memref<16x256xf32, #tpu.memory_space<vmem>>, vector<16xf32>,
    %add3A_970 = arith.addf %add3A_965, %get3A_969 : vector<16xf32>
    %get3A_971 = arith.constant 15 : i32
    %get3A_972 = arith.index_cast %get3A_971 : i32 to index
    %get3A_973 = arith.constant 32 : index
    %get3A_974 = tpu.vector_load %arg6[%get3A_972, %get3A_973] {strides = array<i32>} : memref<16x256xf32, #tpu.memory_space<vmem>>, vector<16xf32>,
    %add3A_975 = arith.addf %add3A_970, %get3A_974 : vector<16xf32>
    %mul3A_976 = arith.constant 1.250000e-01 : f32
    %mul3A_977 = vector.broadcast %mul3A_976 : f32 to vector<16xf32>
    %mul3A_978 = arith.mulf %add3A_975, %mul3A_977 : vector<16xf32>
    %get3A_979 = arith.constant 8 : i32
    %get3A_980 = arith.index_cast %get3A_979 : i32 to index
    %get3A_981 = arith.constant 48 : index
    %get3A_982 = tpu.vector_load %arg6[%get3A_980, %get3A_981] {strides = array<i32>} : memref<16x256xf32, #tpu.memory_space<vmem>>, vector<16xf32>,
    %get3A_983 = arith.constant 9 : i32
    %get3A_984 = arith.index_cast %get3A_983 : i32 to index
    %get3A_985 = arith.constant 48 : index
    %get3A_986 = tpu.vector_load %arg6[%get3A_984, %get3A_985] {strides = array<i32>} : memref<16x256xf32, #tpu.memory_space<vmem>>, vector<16xf32>,
    %add3A_987 = arith.addf %get3A_982, %get3A_986 : vector<16xf32>
    %get3A_988 = arith.constant 10 : i32
    %get3A_989 = arith.index_cast %get3A_988 : i32 to index
    %get3A_990 = arith.constant 48 : index
    %get3A_991 = tpu.vector_load %arg6[%get3A_989, %get3A_990] {strides = array<i32>} : memref<16x256xf32, #tpu.memory_space<vmem>>, vector<16xf32>,
    %add3A_992 = arith.addf %add3A_987, %get3A_991 : vector<16xf32>
    %get3A_993 = arith.constant 11 : i32
    %get3A_994 = arith.index_cast %get3A_993 : i32 to index
    %get3A_995 = arith.constant 48 : index
    %get3A_996 = tpu.vector_load %arg6[%get3A_994, %get3A_995] {strides = array<i32>} : memref<16x256xf32, #tpu.memory_space<vmem>>, vector<16xf32>,
    %add3A_997 = arith.addf %add3A_992, %get3A_996 : vector<16xf32>
    %get3A_998 = arith.constant 12 : i32
    %get3A_999 = arith.index_cast %get3A_998 : i32 to index
    %get3A_1000 = arith.constant 48 : index
    %get3A_1001 = tpu.vector_load %arg6[%get3A_999, %get3A_1000] {strides = array<i32>} : memref<16x256xf32, #tpu.memory_space<vmem>>, vector<16xf32>,
    %add3A_1002 = arith.addf %add3A_997, %get3A_1001 : vector<16xf32>
    %get3A_1003 = arith.constant 13 : i32
    %get3A_1004 = arith.index_cast %get3A_1003 : i32 to index
    %get3A_1005 = arith.constant 48 : index
    %get3A_1006 = tpu.vector_load %arg6[%get3A_1004, %get3A_1005] {strides = array<i32>} : memref<16x256xf32, #tpu.memory_space<vmem>>, vector<16xf32>,
    %add3A_1007 = arith.addf %add3A_1002, %get3A_1006 : vector<16xf32>
    %get3A_1008 = arith.constant 14 : i32
    %get3A_1009 = arith.index_cast %get3A_1008 : i32 to index
    %get3A_1010 = arith.constant 48 : index
    %get3A_1011 = tpu.vector_load %arg6[%get3A_1009, %get3A_1010] {strides = array<i32>} : memref<16x256xf32, #tpu.memory_space<vmem>>, vector<16xf32>,
    %add3A_1012 = arith.addf %add3A_1007, %get3A_1011 : vector<16xf32>
    %get3A_1013 = arith.constant 15 : i32
    %get3A_1014 = arith.index_cast %get3A_1013 : i32 to index
    %get3A_1015 = arith.constant 48 : index
    %get3A_1016 = tpu.vector_load %arg6[%get3A_1014, %get3A_1015] {strides = array<i32>} : memref<16x256xf32, #tpu.memory_space<vmem>>, vector<16xf32>,
    %add3A_1017 = arith.addf %add3A_1012, %get3A_1016 : vector<16xf32>
    %mul3A_1018 = arith.constant 1.250000e-01 : f32
    %mul3A_1019 = vector.broadcast %mul3A_1018 : f32 to vector<16xf32>
    %mul3A_1020 = arith.mulf %add3A_1017, %mul3A_1019 : vector<16xf32>
    %get3A_1021 = arith.constant 8 : i32
    %get3A_1022 = arith.index_cast %get3A_1021 : i32 to index
    %get3A_1023 = arith.constant 64 : index
    %get3A_1024 = tpu.vector_load %arg6[%get3A_1022, %get3A_1023] {strides = array<i32>} : memref<16x256xf32, #tpu.memory_space<vmem>>, vector<16xf32>,
    %get3A_1025 = arith.constant 9 : i32
    %get3A_1026 = arith.index_cast %get3A_1025 : i32 to index
    %get3A_1027 = arith.constant 64 : index
    %get3A_1028 = tpu.vector_load %arg6[%get3A_1026, %get3A_1027] {strides = array<i32>} : memref<16x256xf32, #tpu.memory_space<vmem>>, vector<16xf32>,
    %add3A_1029 = arith.addf %get3A_1024, %get3A_1028 : vector<16xf32>
    %get3A_1030 = arith.constant 10 : i32
    %get3A_1031 = arith.index_cast %get3A_1030 : i32 to index
    %get3A_1032 = arith.constant 64 : index
    %get3A_1033 = tpu.vector_load %arg6[%get3A_1031, %get3A_1032] {strides = array<i32>} : memref<16x256xf32, #tpu.memory_space<vmem>>, vector<16xf32>,
    %add3A_1034 = arith.addf %add3A_1029, %get3A_1033 : vector<16xf32>
    %get3A_1035 = arith.constant 11 : i32
    %get3A_1036 = arith.index_cast %get3A_1035 : i32 to index
    %get3A_1037 = arith.constant 64 : index
    %get3A_1038 = tpu.vector_load %arg6[%get3A_1036, %get3A_1037] {strides = array<i32>} : memref<16x256xf32, #tpu.memory_space<vmem>>, vector<16xf32>,
    %add3A_1039 = arith.addf %add3A_1034, %get3A_1038 : vector<16xf32>
    %get3A_1040 = arith.constant 12 : i32
    %get3A_1041 = arith.index_cast %get3A_1040 : i32 to index
    %get3A_1042 = arith.constant 64 : index
    %get3A_1043 = tpu.vector_load %arg6[%get3A_1041, %get3A_1042] {strides = array<i32>} : memref<16x256xf32, #tpu.memory_space<vmem>>, vector<16xf32>,
    %add3A_1044 = arith.addf %add3A_1039, %get3A_1043 : vector<16xf32>
    %get3A_1045 = arith.constant 13 : i32
    %get3A_1046 = arith.index_cast %get3A_1045 : i32 to index
    %get3A_1047 = arith.constant 64 : index
    %get3A_1048 = tpu.vector_load %arg6[%get3A_1046, %get3A_1047] {strides = array<i32>} : memref<16x256xf32, #tpu.memory_space<vmem>>, vector<16xf32>,
    %add3A_1049 = arith.addf %add3A_1044, %get3A_1048 : vector<16xf32>
    %get3A_1050 = arith.constant 14 : i32
    %get3A_1051 = arith.index_cast %get3A_1050 : i32 to index
    %get3A_1052 = arith.constant 64 : index
    %get3A_1053 = tpu.vector_load %arg6[%get3A_1051, %get3A_1052] {strides = array<i32>} : memref<16x256xf32, #tpu.memory_space<vmem>>, vector<16xf32>,
    %add3A_1054 = arith.addf %add3A_1049, %get3A_1053 : vector<16xf32>
    %get3A_1055 = arith.constant 15 : i32
    %get3A_1056 = arith.index_cast %get3A_1055 : i32 to index
    %get3A_1057 = arith.constant 64 : index
    %get3A_1058 = tpu.vector_load %arg6[%get3A_1056, %get3A_1057] {strides = array<i32>} : memref<16x256xf32, #tpu.memory_space<vmem>>, vector<16xf32>,
    %add3A_1059 = arith.addf %add3A_1054, %get3A_1058 : vector<16xf32>
    %mul3A_1060 = arith.constant 1.250000e-01 : f32
    %mul3A_1061 = vector.broadcast %mul3A_1060 : f32 to vector<16xf32>
    %mul3A_1062 = arith.mulf %add3A_1059, %mul3A_1061 : vector<16xf32>
    %get3A_1063 = arith.constant 8 : i32
    %get3A_1064 = arith.index_cast %get3A_1063 : i32 to index
    %get3A_1065 = arith.constant 80 : index
    %get3A_1066 = tpu.vector_load %arg6[%get3A_1064, %get3A_1065] {strides = array<i32>} : memref<16x256xf32, #tpu.memory_space<vmem>>, vector<16xf32>,
    %get3A_1067 = arith.constant 9 : i32
    %get3A_1068 = arith.index_cast %get3A_1067 : i32 to index
    %get3A_1069 = arith.constant 80 : index
    %get3A_1070 = tpu.vector_load %arg6[%get3A_1068, %get3A_1069] {strides = array<i32>} : memref<16x256xf32, #tpu.memory_space<vmem>>, vector<16xf32>,
    %add3A_1071 = arith.addf %get3A_1066, %get3A_1070 : vector<16xf32>
    %get3A_1072 = arith.constant 10 : i32
    %get3A_1073 = arith.index_cast %get3A_1072 : i32 to index
    %get3A_1074 = arith.constant 80 : index
    %get3A_1075 = tpu.vector_load %arg6[%get3A_1073, %get3A_1074] {strides = array<i32>} : memref<16x256xf32, #tpu.memory_space<vmem>>, vector<16xf32>,
    %add3A_1076 = arith.addf %add3A_1071, %get3A_1075 : vector<16xf32>
    %get3A_1077 = arith.constant 11 : i32
    %get3A_1078 = arith.index_cast %get3A_1077 : i32 to index
    %get3A_1079 = arith.constant 80 : index
    %get3A_1080 = tpu.vector_load %arg6[%get3A_1078, %get3A_1079] {strides = array<i32>} : memref<16x256xf32, #tpu.memory_space<vmem>>, vector<16xf32>,
    %add3A_1081 = arith.addf %add3A_1076, %get3A_1080 : vector<16xf32>
    %get3A_1082 = arith.constant 12 : i32
    %get3A_1083 = arith.index_cast %get3A_1082 : i32 to index
    %get3A_1084 = arith.constant 80 : index
    %get3A_1085 = tpu.vector_load %arg6[%get3A_1083, %get3A_1084] {strides = array<i32>} : memref<16x256xf32, #tpu.memory_space<vmem>>, vector<16xf32>,
    %add3A_1086 = arith.addf %add3A_1081, %get3A_1085 : vector<16xf32>
    %get3A_1087 = arith.constant 13 : i32
    %get3A_1088 = arith.index_cast %get3A_1087 : i32 to index
    %get3A_1089 = arith.constant 80 : index
    %get3A_1090 = tpu.vector_load %arg6[%get3A_1088, %get3A_1089] {strides = array<i32>} : memref<16x256xf32, #tpu.memory_space<vmem>>, vector<16xf32>,
    %add3A_1091 = arith.addf %add3A_1086, %get3A_1090 : vector<16xf32>
    %get3A_1092 = arith.constant 14 : i32
    %get3A_1093 = arith.index_cast %get3A_1092 : i32 to index
    %get3A_1094 = arith.constant 80 : index
    %get3A_1095 = tpu.vector_load %arg6[%get3A_1093, %get3A_1094] {strides = array<i32>} : memref<16x256xf32, #tpu.memory_space<vmem>>, vector<16xf32>,
    %add3A_1096 = arith.addf %add3A_1091, %get3A_1095 : vector<16xf32>
    %get3A_1097 = arith.constant 15 : i32
    %get3A_1098 = arith.index_cast %get3A_1097 : i32 to index
    %get3A_1099 = arith.constant 80 : index
    %get3A_1100 = tpu.vector_load %arg6[%get3A_1098, %get3A_1099] {strides = array<i32>} : memref<16x256xf32, #tpu.memory_space<vmem>>, vector<16xf32>,
    %add3A_1101 = arith.addf %add3A_1096, %get3A_1100 : vector<16xf32>
    %mul3A_1102 = arith.constant 1.250000e-01 : f32
    %mul3A_1103 = vector.broadcast %mul3A_1102 : f32 to vector<16xf32>
    %mul3A_1104 = arith.mulf %add3A_1101, %mul3A_1103 : vector<16xf32>
    %get3A_1105 = arith.constant 8 : i32
    %get3A_1106 = arith.index_cast %get3A_1105 : i32 to index
    %get3A_1107 = arith.constant 96 : index
    %get3A_1108 = tpu.vector_load %arg6[%get3A_1106, %get3A_1107] {strides = array<i32>} : memref<16x256xf32, #tpu.memory_space<vmem>>, vector<16xf32>,
    %get3A_1109 = arith.constant 9 : i32
    %get3A_1110 = arith.index_cast %get3A_1109 : i32 to index
    %get3A_1111 = arith.constant 96 : index
    %get3A_1112 = tpu.vector_load %arg6[%get3A_1110, %get3A_1111] {strides = array<i32>} : memref<16x256xf32, #tpu.memory_space<vmem>>, vector<16xf32>,
    %add3A_1113 = arith.addf %get3A_1108, %get3A_1112 : vector<16xf32>
    %get3A_1114 = arith.constant 10 : i32
    %get3A_1115 = arith.index_cast %get3A_1114 : i32 to index
    %get3A_1116 = arith.constant 96 : index
    %get3A_1117 = tpu.vector_load %arg6[%get3A_1115, %get3A_1116] {strides = array<i32>} : memref<16x256xf32, #tpu.memory_space<vmem>>, vector<16xf32>,
    %add3A_1118 = arith.addf %add3A_1113, %get3A_1117 : vector<16xf32>
    %get3A_1119 = arith.constant 11 : i32
    %get3A_1120 = arith.index_cast %get3A_1119 : i32 to index
    %get3A_1121 = arith.constant 96 : index
    %get3A_1122 = tpu.vector_load %arg6[%get3A_1120, %get3A_1121] {strides = array<i32>} : memref<16x256xf32, #tpu.memory_space<vmem>>, vector<16xf32>,
    %add3A_1123 = arith.addf %add3A_1118, %get3A_1122 : vector<16xf32>
    %get3A_1124 = arith.constant 12 : i32
    %get3A_1125 = arith.index_cast %get3A_1124 : i32 to index
    %get3A_1126 = arith.constant 96 : index
    %get3A_1127 = tpu.vector_load %arg6[%get3A_1125, %get3A_1126] {strides = array<i32>} : memref<16x256xf32, #tpu.memory_space<vmem>>, vector<16xf32>,
    %add3A_1128 = arith.addf %add3A_1123, %get3A_1127 : vector<16xf32>
    %get3A_1129 = arith.constant 13 : i32
    %get3A_1130 = arith.index_cast %get3A_1129 : i32 to index
    %get3A_1131 = arith.constant 96 : index
    %get3A_1132 = tpu.vector_load %arg6[%get3A_1130, %get3A_1131] {strides = array<i32>} : memref<16x256xf32, #tpu.memory_space<vmem>>, vector<16xf32>,
    %add3A_1133 = arith.addf %add3A_1128, %get3A_1132 : vector<16xf32>
    %get3A_1134 = arith.constant 14 : i32
    %get3A_1135 = arith.index_cast %get3A_1134 : i32 to index
    %get3A_1136 = arith.constant 96 : index
    %get3A_1137 = tpu.vector_load %arg6[%get3A_1135, %get3A_1136] {strides = array<i32>} : memref<16x256xf32, #tpu.memory_space<vmem>>, vector<16xf32>,
    %add3A_1138 = arith.addf %add3A_1133, %get3A_1137 : vector<16xf32>
    %get3A_1139 = arith.constant 15 : i32
    %get3A_1140 = arith.index_cast %get3A_1139 : i32 to index
    %get3A_1141 = arith.constant 96 : index
    %get3A_1142 = tpu.vector_load %arg6[%get3A_1140, %get3A_1141] {strides = array<i32>} : memref<16x256xf32, #tpu.memory_space<vmem>>, vector<16xf32>,
    %add3A_1143 = arith.addf %add3A_1138, %get3A_1142 : vector<16xf32>
    %mul3A_1144 = arith.constant 1.250000e-01 : f32
    %mul3A_1145 = vector.broadcast %mul3A_1144 : f32 to vector<16xf32>
    %mul3A_1146 = arith.mulf %add3A_1143, %mul3A_1145 : vector<16xf32>
    %get3A_1147 = arith.constant 8 : i32
    %get3A_1148 = arith.index_cast %get3A_1147 : i32 to index
    %get3A_1149 = arith.constant 112 : index
    %get3A_1150 = tpu.vector_load %arg6[%get3A_1148, %get3A_1149] {strides = array<i32>} : memref<16x256xf32, #tpu.memory_space<vmem>>, vector<16xf32>,
    %get3A_1151 = arith.constant 9 : i32
    %get3A_1152 = arith.index_cast %get3A_1151 : i32 to index
    %get3A_1153 = arith.constant 112 : index
    %get3A_1154 = tpu.vector_load %arg6[%get3A_1152, %get3A_1153] {strides = array<i32>} : memref<16x256xf32, #tpu.memory_space<vmem>>, vector<16xf32>,
    %add3A_1155 = arith.addf %get3A_1150, %get3A_1154 : vector<16xf32>
    %get3A_1156 = arith.constant 10 : i32
    %get3A_1157 = arith.index_cast %get3A_1156 : i32 to index
    %get3A_1158 = arith.constant 112 : index
    %get3A_1159 = tpu.vector_load %arg6[%get3A_1157, %get3A_1158] {strides = array<i32>} : memref<16x256xf32, #tpu.memory_space<vmem>>, vector<16xf32>,
    %add3A_1160 = arith.addf %add3A_1155, %get3A_1159 : vector<16xf32>
    %get3A_1161 = arith.constant 11 : i32
    %get3A_1162 = arith.index_cast %get3A_1161 : i32 to index
    %get3A_1163 = arith.constant 112 : index
    %get3A_1164 = tpu.vector_load %arg6[%get3A_1162, %get3A_1163] {strides = array<i32>} : memref<16x256xf32, #tpu.memory_space<vmem>>, vector<16xf32>,
    %add3A_1165 = arith.addf %add3A_1160, %get3A_1164 : vector<16xf32>
    %get3A_1166 = arith.constant 12 : i32
    %get3A_1167 = arith.index_cast %get3A_1166 : i32 to index
    %get3A_1168 = arith.constant 112 : index
    %get3A_1169 = tpu.vector_load %arg6[%get3A_1167, %get3A_1168] {strides = array<i32>} : memref<16x256xf32, #tpu.memory_space<vmem>>, vector<16xf32>,
    %add3A_1170 = arith.addf %add3A_1165, %get3A_1169 : vector<16xf32>
    %get3A_1171 = arith.constant 13 : i32
    %get3A_1172 = arith.index_cast %get3A_1171 : i32 to index
    %get3A_1173 = arith.constant 112 : index
    %get3A_1174 = tpu.vector_load %arg6[%get3A_1172, %get3A_1173] {strides = array<i32>} : memref<16x256xf32, #tpu.memory_space<vmem>>, vector<16xf32>,
    %add3A_1175 = arith.addf %add3A_1170, %get3A_1174 : vector<16xf32>
    %get3A_1176 = arith.constant 14 : i32
    %get3A_1177 = arith.index_cast %get3A_1176 : i32 to index
    %get3A_1178 = arith.constant 112 : index
    %get3A_1179 = tpu.vector_load %arg6[%get3A_1177, %get3A_1178] {strides = array<i32>} : memref<16x256xf32, #tpu.memory_space<vmem>>, vector<16xf32>,
    %add3A_1180 = arith.addf %add3A_1175, %get3A_1179 : vector<16xf32>
    %get3A_1181 = arith.constant 15 : i32
    %get3A_1182 = arith.index_cast %get3A_1181 : i32 to index
    %get3A_1183 = arith.constant 112 : index
    %get3A_1184 = tpu.vector_load %arg6[%get3A_1182, %get3A_1183] {strides = array<i32>} : memref<16x256xf32, #tpu.memory_space<vmem>>, vector<16xf32>,
    %add3A_1185 = arith.addf %add3A_1180, %get3A_1184 : vector<16xf32>
    %mul3A_1186 = arith.constant 1.250000e-01 : f32
    %mul3A_1187 = vector.broadcast %mul3A_1186 : f32 to vector<16xf32>
    %mul3A_1188 = arith.mulf %add3A_1185, %mul3A_1187 : vector<16xf32>
    %get3A_1189 = arith.constant 8 : i32
    %get3A_1190 = arith.index_cast %get3A_1189 : i32 to index
    %get3A_1191 = arith.constant 128 : index
    %get3A_1192 = tpu.vector_load %arg6[%get3A_1190, %get3A_1191] {strides = array<i32>} : memref<16x256xf32, #tpu.memory_space<vmem>>, vector<16xf32>,
    %get3A_1193 = arith.constant 9 : i32
    %get3A_1194 = arith.index_cast %get3A_1193 : i32 to index
    %get3A_1195 = arith.constant 128 : index
    %get3A_1196 = tpu.vector_load %arg6[%get3A_1194, %get3A_1195] {strides = array<i32>} : memref<16x256xf32, #tpu.memory_space<vmem>>, vector<16xf32>,
    %add3A_1197 = arith.addf %get3A_1192, %get3A_1196 : vector<16xf32>
    %get3A_1198 = arith.constant 10 : i32
    %get3A_1199 = arith.index_cast %get3A_1198 : i32 to index
    %get3A_1200 = arith.constant 128 : index
    %get3A_1201 = tpu.vector_load %arg6[%get3A_1199, %get3A_1200] {strides = array<i32>} : memref<16x256xf32, #tpu.memory_space<vmem>>, vector<16xf32>,
    %add3A_1202 = arith.addf %add3A_1197, %get3A_1201 : vector<16xf32>
    %get3A_1203 = arith.constant 11 : i32
    %get3A_1204 = arith.index_cast %get3A_1203 : i32 to index
    %get3A_1205 = arith.constant 128 : index
    %get3A_1206 = tpu.vector_load %arg6[%get3A_1204, %get3A_1205] {strides = array<i32>} : memref<16x256xf32, #tpu.memory_space<vmem>>, vector<16xf32>,
    %add3A_1207 = arith.addf %add3A_1202, %get3A_1206 : vector<16xf32>
    %get3A_1208 = arith.constant 12 : i32
    %get3A_1209 = arith.index_cast %get3A_1208 : i32 to index
    %get3A_1210 = arith.constant 128 : index
    %get3A_1211 = tpu.vector_load %arg6[%get3A_1209, %get3A_1210] {strides = array<i32>} : memref<16x256xf32, #tpu.memory_space<vmem>>, vector<16xf32>,
    %add3A_1212 = arith.addf %add3A_1207, %get3A_1211 : vector<16xf32>
    %get3A_1213 = arith.constant 13 : i32
    %get3A_1214 = arith.index_cast %get3A_1213 : i32 to index
    %get3A_1215 = arith.constant 128 : index
    %get3A_1216 = tpu.vector_load %arg6[%get3A_1214, %get3A_1215] {strides = array<i32>} : memref<16x256xf32, #tpu.memory_space<vmem>>, vector<16xf32>,
    %add3A_1217 = arith.addf %add3A_1212, %get3A_1216 : vector<16xf32>
    %get3A_1218 = arith.constant 14 : i32
    %get3A_1219 = arith.index_cast %get3A_1218 : i32 to index
    %get3A_1220 = arith.constant 128 : index
    %get3A_1221 = tpu.vector_load %arg6[%get3A_1219, %get3A_1220] {strides = array<i32>} : memref<16x256xf32, #tpu.memory_space<vmem>>, vector<16xf32>,
    %add3A_1222 = arith.addf %add3A_1217, %get3A_1221 : vector<16xf32>
    %get3A_1223 = arith.constant 15 : i32
    %get3A_1224 = arith.index_cast %get3A_1223 : i32 to index
    %get3A_1225 = arith.constant 128 : index
    %get3A_1226 = tpu.vector_load %arg6[%get3A_1224, %get3A_1225] {strides = array<i32>} : memref<16x256xf32, #tpu.memory_space<vmem>>, vector<16xf32>,
    %add3A_1227 = arith.addf %add3A_1222, %get3A_1226 : vector<16xf32>
    %mul3A_1228 = arith.constant 1.250000e-01 : f32
    %mul3A_1229 = vector.broadcast %mul3A_1228 : f32 to vector<16xf32>
    %mul3A_1230 = arith.mulf %add3A_1227, %mul3A_1229 : vector<16xf32>
    %get3A_1231 = arith.constant 8 : i32
    %get3A_1232 = arith.index_cast %get3A_1231 : i32 to index
    %get3A_1233 = arith.constant 144 : index
    %get3A_1234 = tpu.vector_load %arg6[%get3A_1232, %get3A_1233] {strides = array<i32>} : memref<16x256xf32, #tpu.memory_space<vmem>>, vector<16xf32>,
    %get3A_1235 = arith.constant 9 : i32
    %get3A_1236 = arith.index_cast %get3A_1235 : i32 to index
    %get3A_1237 = arith.constant 144 : index
    %get3A_1238 = tpu.vector_load %arg6[%get3A_1236, %get3A_1237] {strides = array<i32>} : memref<16x256xf32, #tpu.memory_space<vmem>>, vector<16xf32>,
    %add3A_1239 = arith.addf %get3A_1234, %get3A_1238 : vector<16xf32>
    %get3A_1240 = arith.constant 10 : i32
    %get3A_1241 = arith.index_cast %get3A_1240 : i32 to index
    %get3A_1242 = arith.constant 144 : index
    %get3A_1243 = tpu.vector_load %arg6[%get3A_1241, %get3A_1242] {strides = array<i32>} : memref<16x256xf32, #tpu.memory_space<vmem>>, vector<16xf32>,
    %add3A_1244 = arith.addf %add3A_1239, %get3A_1243 : vector<16xf32>
    %get3A_1245 = arith.constant 11 : i32
    %get3A_1246 = arith.index_cast %get3A_1245 : i32 to index
    %get3A_1247 = arith.constant 144 : index
    %get3A_1248 = tpu.vector_load %arg6[%get3A_1246, %get3A_1247] {strides = array<i32>} : memref<16x256xf32, #tpu.memory_space<vmem>>, vector<16xf32>,
    %add3A_1249 = arith.addf %add3A_1244, %get3A_1248 : vector<16xf32>
    %get3A_1250 = arith.constant 12 : i32
    %get3A_1251 = arith.index_cast %get3A_1250 : i32 to index
    %get3A_1252 = arith.constant 144 : index
    %get3A_1253 = tpu.vector_load %arg6[%get3A_1251, %get3A_1252] {strides = array<i32>} : memref<16x256xf32, #tpu.memory_space<vmem>>, vector<16xf32>,
    %add3A_1254 = arith.addf %add3A_1249, %get3A_1253 : vector<16xf32>
    %get3A_1255 = arith.constant 13 : i32
    %get3A_1256 = arith.index_cast %get3A_1255 : i32 to index
    %get3A_1257 = arith.constant 144 : index
    %get3A_1258 = tpu.vector_load %arg6[%get3A_1256, %get3A_1257] {strides = array<i32>} : memref<16x256xf32, #tpu.memory_space<vmem>>, vector<16xf32>,
    %add3A_1259 = arith.addf %add3A_1254, %get3A_1258 : vector<16xf32>
    %get3A_1260 = arith.constant 14 : i32
    %get3A_1261 = arith.index_cast %get3A_1260 : i32 to index
    %get3A_1262 = arith.constant 144 : index
    %get3A_1263 = tpu.vector_load %arg6[%get3A_1261, %get3A_1262] {strides = array<i32>} : memref<16x256xf32, #tpu.memory_space<vmem>>, vector<16xf32>,
    %add3A_1264 = arith.addf %add3A_1259, %get3A_1263 : vector<16xf32>
    %get3A_1265 = arith.constant 15 : i32
    %get3A_1266 = arith.index_cast %get3A_1265 : i32 to index
    %get3A_1267 = arith.constant 144 : index
    %get3A_1268 = tpu.vector_load %arg6[%get3A_1266, %get3A_1267] {strides = array<i32>} : memref<16x256xf32, #tpu.memory_space<vmem>>, vector<16xf32>,
    %add3A_1269 = arith.addf %add3A_1264, %get3A_1268 : vector<16xf32>
    %mul3A_1270 = arith.constant 1.250000e-01 : f32
    %mul3A_1271 = vector.broadcast %mul3A_1270 : f32 to vector<16xf32>
    %mul3A_1272 = arith.mulf %add3A_1269, %mul3A_1271 : vector<16xf32>
    %get3A_1273 = arith.constant 8 : i32
    %get3A_1274 = arith.index_cast %get3A_1273 : i32 to index
    %get3A_1275 = arith.constant 160 : index
    %get3A_1276 = tpu.vector_load %arg6[%get3A_1274, %get3A_1275] {strides = array<i32>} : memref<16x256xf32, #tpu.memory_space<vmem>>, vector<16xf32>,
    %get3A_1277 = arith.constant 9 : i32
    %get3A_1278 = arith.index_cast %get3A_1277 : i32 to index
    %get3A_1279 = arith.constant 160 : index
    %get3A_1280 = tpu.vector_load %arg6[%get3A_1278, %get3A_1279] {strides = array<i32>} : memref<16x256xf32, #tpu.memory_space<vmem>>, vector<16xf32>,
    %add3A_1281 = arith.addf %get3A_1276, %get3A_1280 : vector<16xf32>
    %get3A_1282 = arith.constant 10 : i32
    %get3A_1283 = arith.index_cast %get3A_1282 : i32 to index
    %get3A_1284 = arith.constant 160 : index
    %get3A_1285 = tpu.vector_load %arg6[%get3A_1283, %get3A_1284] {strides = array<i32>} : memref<16x256xf32, #tpu.memory_space<vmem>>, vector<16xf32>,
    %add3A_1286 = arith.addf %add3A_1281, %get3A_1285 : vector<16xf32>
    %get3A_1287 = arith.constant 11 : i32
    %get3A_1288 = arith.index_cast %get3A_1287 : i32 to index
    %get3A_1289 = arith.constant 160 : index
    %get3A_1290 = tpu.vector_load %arg6[%get3A_1288, %get3A_1289] {strides = array<i32>} : memref<16x256xf32, #tpu.memory_space<vmem>>, vector<16xf32>,
    %add3A_1291 = arith.addf %add3A_1286, %get3A_1290 : vector<16xf32>
    %get3A_1292 = arith.constant 12 : i32
    %get3A_1293 = arith.index_cast %get3A_1292 : i32 to index
    %get3A_1294 = arith.constant 160 : index
    %get3A_1295 = tpu.vector_load %arg6[%get3A_1293, %get3A_1294] {strides = array<i32>} : memref<16x256xf32, #tpu.memory_space<vmem>>, vector<16xf32>,
    %add3A_1296 = arith.addf %add3A_1291, %get3A_1295 : vector<16xf32>
    %get3A_1297 = arith.constant 13 : i32
    %get3A_1298 = arith.index_cast %get3A_1297 : i32 to index
    %get3A_1299 = arith.constant 160 : index
    %get3A_1300 = tpu.vector_load %arg6[%get3A_1298, %get3A_1299] {strides = array<i32>} : memref<16x256xf32, #tpu.memory_space<vmem>>, vector<16xf32>,
    %add3A_1301 = arith.addf %add3A_1296, %get3A_1300 : vector<16xf32>
    %get3A_1302 = arith.constant 14 : i32
    %get3A_1303 = arith.index_cast %get3A_1302 : i32 to index
    %get3A_1304 = arith.constant 160 : index
    %get3A_1305 = tpu.vector_load %arg6[%get3A_1303, %get3A_1304] {strides = array<i32>} : memref<16x256xf32, #tpu.memory_space<vmem>>, vector<16xf32>,
    %add3A_1306 = arith.addf %add3A_1301, %get3A_1305 : vector<16xf32>
    %get3A_1307 = arith.constant 15 : i32
    %get3A_1308 = arith.index_cast %get3A_1307 : i32 to index
    %get3A_1309 = arith.constant 160 : index
    %get3A_1310 = tpu.vector_load %arg6[%get3A_1308, %get3A_1309] {strides = array<i32>} : memref<16x256xf32, #tpu.memory_space<vmem>>, vector<16xf32>,
    %add3A_1311 = arith.addf %add3A_1306, %get3A_1310 : vector<16xf32>
    %mul3A_1312 = arith.constant 1.250000e-01 : f32
    %mul3A_1313 = vector.broadcast %mul3A_1312 : f32 to vector<16xf32>
    %mul3A_1314 = arith.mulf %add3A_1311, %mul3A_1313 : vector<16xf32>
    %get3A_1315 = arith.constant 8 : i32
    %get3A_1316 = arith.index_cast %get3A_1315 : i32 to index
    %get3A_1317 = arith.constant 176 : index
    %get3A_1318 = tpu.vector_load %arg6[%get3A_1316, %get3A_1317] {strides = array<i32>} : memref<16x256xf32, #tpu.memory_space<vmem>>, vector<16xf32>,
    %get3A_1319 = arith.constant 9 : i32
    %get3A_1320 = arith.index_cast %get3A_1319 : i32 to index
    %get3A_1321 = arith.constant 176 : index
    %get3A_1322 = tpu.vector_load %arg6[%get3A_1320, %get3A_1321] {strides = array<i32>} : memref<16x256xf32, #tpu.memory_space<vmem>>, vector<16xf32>,
    %add3A_1323 = arith.addf %get3A_1318, %get3A_1322 : vector<16xf32>
    %get3A_1324 = arith.constant 10 : i32
    %get3A_1325 = arith.index_cast %get3A_1324 : i32 to index
    %get3A_1326 = arith.constant 176 : index
    %get3A_1327 = tpu.vector_load %arg6[%get3A_1325, %get3A_1326] {strides = array<i32>} : memref<16x256xf32, #tpu.memory_space<vmem>>, vector<16xf32>,
    %add3A_1328 = arith.addf %add3A_1323, %get3A_1327 : vector<16xf32>
    %get3A_1329 = arith.constant 11 : i32
    %get3A_1330 = arith.index_cast %get3A_1329 : i32 to index
    %get3A_1331 = arith.constant 176 : index
    %get3A_1332 = tpu.vector_load %arg6[%get3A_1330, %get3A_1331] {strides = array<i32>} : memref<16x256xf32, #tpu.memory_space<vmem>>, vector<16xf32>,
    %add3A_1333 = arith.addf %add3A_1328, %get3A_1332 : vector<16xf32>
    %get3A_1334 = arith.constant 12 : i32
    %get3A_1335 = arith.index_cast %get3A_1334 : i32 to index
    %get3A_1336 = arith.constant 176 : index
    %get3A_1337 = tpu.vector_load %arg6[%get3A_1335, %get3A_1336] {strides = array<i32>} : memref<16x256xf32, #tpu.memory_space<vmem>>, vector<16xf32>,
    %add3A_1338 = arith.addf %add3A_1333, %get3A_1337 : vector<16xf32>
    %get3A_1339 = arith.constant 13 : i32
    %get3A_1340 = arith.index_cast %get3A_1339 : i32 to index
    %get3A_1341 = arith.constant 176 : index
    %get3A_1342 = tpu.vector_load %arg6[%get3A_1340, %get3A_1341] {strides = array<i32>} : memref<16x256xf32, #tpu.memory_space<vmem>>, vector<16xf32>,
    %add3A_1343 = arith.addf %add3A_1338, %get3A_1342 : vector<16xf32>
    %get3A_1344 = arith.constant 14 : i32
    %get3A_1345 = arith.index_cast %get3A_1344 : i32 to index
    %get3A_1346 = arith.constant 176 : index
    %get3A_1347 = tpu.vector_load %arg6[%get3A_1345, %get3A_1346] {strides = array<i32>} : memref<16x256xf32, #tpu.memory_space<vmem>>, vector<16xf32>,
    %add3A_1348 = arith.addf %add3A_1343, %get3A_1347 : vector<16xf32>
    %get3A_1349 = arith.constant 15 : i32
    %get3A_1350 = arith.index_cast %get3A_1349 : i32 to index
    %get3A_1351 = arith.constant 176 : index
    %get3A_1352 = tpu.vector_load %arg6[%get3A_1350, %get3A_1351] {strides = array<i32>} : memref<16x256xf32, #tpu.memory_space<vmem>>, vector<16xf32>,
    %add3A_1353 = arith.addf %add3A_1348, %get3A_1352 : vector<16xf32>
    %mul3A_1354 = arith.constant 1.250000e-01 : f32
    %mul3A_1355 = vector.broadcast %mul3A_1354 : f32 to vector<16xf32>
    %mul3A_1356 = arith.mulf %add3A_1353, %mul3A_1355 : vector<16xf32>
    %get3A_1357 = arith.constant 8 : i32
    %get3A_1358 = arith.index_cast %get3A_1357 : i32 to index
    %get3A_1359 = arith.constant 192 : index
    %get3A_1360 = tpu.vector_load %arg6[%get3A_1358, %get3A_1359] {strides = array<i32>} : memref<16x256xf32, #tpu.memory_space<vmem>>, vector<16xf32>,
    %get3A_1361 = arith.constant 9 : i32
    %get3A_1362 = arith.index_cast %get3A_1361 : i32 to index
    %get3A_1363 = arith.constant 192 : index
    %get3A_1364 = tpu.vector_load %arg6[%get3A_1362, %get3A_1363] {strides = array<i32>} : memref<16x256xf32, #tpu.memory_space<vmem>>, vector<16xf32>,
    %add3A_1365 = arith.addf %get3A_1360, %get3A_1364 : vector<16xf32>
    %get3A_1366 = arith.constant 10 : i32
    %get3A_1367 = arith.index_cast %get3A_1366 : i32 to index
    %get3A_1368 = arith.constant 192 : index
    %get3A_1369 = tpu.vector_load %arg6[%get3A_1367, %get3A_1368] {strides = array<i32>} : memref<16x256xf32, #tpu.memory_space<vmem>>, vector<16xf32>,
    %add3A_1370 = arith.addf %add3A_1365, %get3A_1369 : vector<16xf32>
    %get3A_1371 = arith.constant 11 : i32
    %get3A_1372 = arith.index_cast %get3A_1371 : i32 to index
    %get3A_1373 = arith.constant 192 : index
    %get3A_1374 = tpu.vector_load %arg6[%get3A_1372, %get3A_1373] {strides = array<i32>} : memref<16x256xf32, #tpu.memory_space<vmem>>, vector<16xf32>,
    %add3A_1375 = arith.addf %add3A_1370, %get3A_1374 : vector<16xf32>
    %get3A_1376 = arith.constant 12 : i32
    %get3A_1377 = arith.index_cast %get3A_1376 : i32 to index
    %get3A_1378 = arith.constant 192 : index
    %get3A_1379 = tpu.vector_load %arg6[%get3A_1377, %get3A_1378] {strides = array<i32>} : memref<16x256xf32, #tpu.memory_space<vmem>>, vector<16xf32>,
    %add3A_1380 = arith.addf %add3A_1375, %get3A_1379 : vector<16xf32>
    %get3A_1381 = arith.constant 13 : i32
    %get3A_1382 = arith.index_cast %get3A_1381 : i32 to index
    %get3A_1383 = arith.constant 192 : index
    %get3A_1384 = tpu.vector_load %arg6[%get3A_1382, %get3A_1383] {strides = array<i32>} : memref<16x256xf32, #tpu.memory_space<vmem>>, vector<16xf32>,
    %add3A_1385 = arith.addf %add3A_1380, %get3A_1384 : vector<16xf32>
    %get3A_1386 = arith.constant 14 : i32
    %get3A_1387 = arith.index_cast %get3A_1386 : i32 to index
    %get3A_1388 = arith.constant 192 : index
    %get3A_1389 = tpu.vector_load %arg6[%get3A_1387, %get3A_1388] {strides = array<i32>} : memref<16x256xf32, #tpu.memory_space<vmem>>, vector<16xf32>,
    %add3A_1390 = arith.addf %add3A_1385, %get3A_1389 : vector<16xf32>
    %get3A_1391 = arith.constant 15 : i32
    %get3A_1392 = arith.index_cast %get3A_1391 : i32 to index
    %get3A_1393 = arith.constant 192 : index
    %get3A_1394 = tpu.vector_load %arg6[%get3A_1392, %get3A_1393] {strides = array<i32>} : memref<16x256xf32, #tpu.memory_space<vmem>>, vector<16xf32>,
    %add3A_1395 = arith.addf %add3A_1390, %get3A_1394 : vector<16xf32>
    %mul3A_1396 = arith.constant 1.250000e-01 : f32
    %mul3A_1397 = vector.broadcast %mul3A_1396 : f32 to vector<16xf32>
    %mul3A_1398 = arith.mulf %add3A_1395, %mul3A_1397 : vector<16xf32>
    %get3A_1399 = arith.constant 8 : i32
    %get3A_1400 = arith.index_cast %get3A_1399 : i32 to index
    %get3A_1401 = arith.constant 208 : index
    %get3A_1402 = tpu.vector_load %arg6[%get3A_1400, %get3A_1401] {strides = array<i32>} : memref<16x256xf32, #tpu.memory_space<vmem>>, vector<16xf32>,
    %get3A_1403 = arith.constant 9 : i32
    %get3A_1404 = arith.index_cast %get3A_1403 : i32 to index
    %get3A_1405 = arith.constant 208 : index
    %get3A_1406 = tpu.vector_load %arg6[%get3A_1404, %get3A_1405] {strides = array<i32>} : memref<16x256xf32, #tpu.memory_space<vmem>>, vector<16xf32>,
    %add3A_1407 = arith.addf %get3A_1402, %get3A_1406 : vector<16xf32>
    %get3A_1408 = arith.constant 10 : i32
    %get3A_1409 = arith.index_cast %get3A_1408 : i32 to index
    %get3A_1410 = arith.constant 208 : index
    %get3A_1411 = tpu.vector_load %arg6[%get3A_1409, %get3A_1410] {strides = array<i32>} : memref<16x256xf32, #tpu.memory_space<vmem>>, vector<16xf32>,
    %add3A_1412 = arith.addf %add3A_1407, %get3A_1411 : vector<16xf32>
    %get3A_1413 = arith.constant 11 : i32
    %get3A_1414 = arith.index_cast %get3A_1413 : i32 to index
    %get3A_1415 = arith.constant 208 : index
    %get3A_1416 = tpu.vector_load %arg6[%get3A_1414, %get3A_1415] {strides = array<i32>} : memref<16x256xf32, #tpu.memory_space<vmem>>, vector<16xf32>,
    %add3A_1417 = arith.addf %add3A_1412, %get3A_1416 : vector<16xf32>
    %get3A_1418 = arith.constant 12 : i32
    %get3A_1419 = arith.index_cast %get3A_1418 : i32 to index
    %get3A_1420 = arith.constant 208 : index
    %get3A_1421 = tpu.vector_load %arg6[%get3A_1419, %get3A_1420] {strides = array<i32>} : memref<16x256xf32, #tpu.memory_space<vmem>>, vector<16xf32>,
    %add3A_1422 = arith.addf %add3A_1417, %get3A_1421 : vector<16xf32>
    %get3A_1423 = arith.constant 13 : i32
    %get3A_1424 = arith.index_cast %get3A_1423 : i32 to index
    %get3A_1425 = arith.constant 208 : index
    %get3A_1426 = tpu.vector_load %arg6[%get3A_1424, %get3A_1425] {strides = array<i32>} : memref<16x256xf32, #tpu.memory_space<vmem>>, vector<16xf32>,
    %add3A_1427 = arith.addf %add3A_1422, %get3A_1426 : vector<16xf32>
    %get3A_1428 = arith.constant 14 : i32
    %get3A_1429 = arith.index_cast %get3A_1428 : i32 to index
    %get3A_1430 = arith.constant 208 : index
    %get3A_1431 = tpu.vector_load %arg6[%get3A_1429, %get3A_1430] {strides = array<i32>} : memref<16x256xf32, #tpu.memory_space<vmem>>, vector<16xf32>,
    %add3A_1432 = arith.addf %add3A_1427, %get3A_1431 : vector<16xf32>
    %get3A_1433 = arith.constant 15 : i32
    %get3A_1434 = arith.index_cast %get3A_1433 : i32 to index
    %get3A_1435 = arith.constant 208 : index
    %get3A_1436 = tpu.vector_load %arg6[%get3A_1434, %get3A_1435] {strides = array<i32>} : memref<16x256xf32, #tpu.memory_space<vmem>>, vector<16xf32>,
    %add3A_1437 = arith.addf %add3A_1432, %get3A_1436 : vector<16xf32>
    %mul3A_1438 = arith.constant 1.250000e-01 : f32
    %mul3A_1439 = vector.broadcast %mul3A_1438 : f32 to vector<16xf32>
    %mul3A_1440 = arith.mulf %add3A_1437, %mul3A_1439 : vector<16xf32>
    %get3A_1441 = arith.constant 8 : i32
    %get3A_1442 = arith.index_cast %get3A_1441 : i32 to index
    %get3A_1443 = arith.constant 224 : index
    %get3A_1444 = tpu.vector_load %arg6[%get3A_1442, %get3A_1443] {strides = array<i32>} : memref<16x256xf32, #tpu.memory_space<vmem>>, vector<16xf32>,
    %get3A_1445 = arith.constant 9 : i32
    %get3A_1446 = arith.index_cast %get3A_1445 : i32 to index
    %get3A_1447 = arith.constant 224 : index
    %get3A_1448 = tpu.vector_load %arg6[%get3A_1446, %get3A_1447] {strides = array<i32>} : memref<16x256xf32, #tpu.memory_space<vmem>>, vector<16xf32>,
    %add3A_1449 = arith.addf %get3A_1444, %get3A_1448 : vector<16xf32>
    %get3A_1450 = arith.constant 10 : i32
    %get3A_1451 = arith.index_cast %get3A_1450 : i32 to index
    %get3A_1452 = arith.constant 224 : index
    %get3A_1453 = tpu.vector_load %arg6[%get3A_1451, %get3A_1452] {strides = array<i32>} : memref<16x256xf32, #tpu.memory_space<vmem>>, vector<16xf32>,
    %add3A_1454 = arith.addf %add3A_1449, %get3A_1453 : vector<16xf32>
    %get3A_1455 = arith.constant 11 : i32
    %get3A_1456 = arith.index_cast %get3A_1455 : i32 to index
    %get3A_1457 = arith.constant 224 : index
    %get3A_1458 = tpu.vector_load %arg6[%get3A_1456, %get3A_1457] {strides = array<i32>} : memref<16x256xf32, #tpu.memory_space<vmem>>, vector<16xf32>,
    %add3A_1459 = arith.addf %add3A_1454, %get3A_1458 : vector<16xf32>
    %get3A_1460 = arith.constant 12 : i32
    %get3A_1461 = arith.index_cast %get3A_1460 : i32 to index
    %get3A_1462 = arith.constant 224 : index
    %get3A_1463 = tpu.vector_load %arg6[%get3A_1461, %get3A_1462] {strides = array<i32>} : memref<16x256xf32, #tpu.memory_space<vmem>>, vector<16xf32>,
    %add3A_1464 = arith.addf %add3A_1459, %get3A_1463 : vector<16xf32>
    %get3A_1465 = arith.constant 13 : i32
    %get3A_1466 = arith.index_cast %get3A_1465 : i32 to index
    %get3A_1467 = arith.constant 224 : index
    %get3A_1468 = tpu.vector_load %arg6[%get3A_1466, %get3A_1467] {strides = array<i32>} : memref<16x256xf32, #tpu.memory_space<vmem>>, vector<16xf32>,
    %add3A_1469 = arith.addf %add3A_1464, %get3A_1468 : vector<16xf32>
    %get3A_1470 = arith.constant 14 : i32
    %get3A_1471 = arith.index_cast %get3A_1470 : i32 to index
    %get3A_1472 = arith.constant 224 : index
    %get3A_1473 = tpu.vector_load %arg6[%get3A_1471, %get3A_1472] {strides = array<i32>} : memref<16x256xf32, #tpu.memory_space<vmem>>, vector<16xf32>,
    %add3A_1474 = arith.addf %add3A_1469, %get3A_1473 : vector<16xf32>
    %get3A_1475 = arith.constant 15 : i32
    %get3A_1476 = arith.index_cast %get3A_1475 : i32 to index
    %get3A_1477 = arith.constant 224 : index
    %get3A_1478 = tpu.vector_load %arg6[%get3A_1476, %get3A_1477] {strides = array<i32>} : memref<16x256xf32, #tpu.memory_space<vmem>>, vector<16xf32>,
    %add3A_1479 = arith.addf %add3A_1474, %get3A_1478 : vector<16xf32>
    %mul3A_1480 = arith.constant 1.250000e-01 : f32
    %mul3A_1481 = vector.broadcast %mul3A_1480 : f32 to vector<16xf32>
    %mul3A_1482 = arith.mulf %add3A_1479, %mul3A_1481 : vector<16xf32>
    %get3A_1483 = arith.constant 8 : i32
    %get3A_1484 = arith.index_cast %get3A_1483 : i32 to index
    %get3A_1485 = arith.constant 240 : index
    %get3A_1486 = tpu.vector_load %arg6[%get3A_1484, %get3A_1485] {strides = array<i32>} : memref<16x256xf32, #tpu.memory_space<vmem>>, vector<16xf32>,
    %get3A_1487 = arith.constant 9 : i32
    %get3A_1488 = arith.index_cast %get3A_1487 : i32 to index
    %get3A_1489 = arith.constant 240 : index
    %get3A_1490 = tpu.vector_load %arg6[%get3A_1488, %get3A_1489] {strides = array<i32>} : memref<16x256xf32, #tpu.memory_space<vmem>>, vector<16xf32>,
    %add3A_1491 = arith.addf %get3A_1486, %get3A_1490 : vector<16xf32>
    %get3A_1492 = arith.constant 10 : i32
    %get3A_1493 = arith.index_cast %get3A_1492 : i32 to index
    %get3A_1494 = arith.constant 240 : index
    %get3A_1495 = tpu.vector_load %arg6[%get3A_1493, %get3A_1494] {strides = array<i32>} : memref<16x256xf32, #tpu.memory_space<vmem>>, vector<16xf32>,
    %add3A_1496 = arith.addf %add3A_1491, %get3A_1495 : vector<16xf32>
    %get3A_1497 = arith.constant 11 : i32
    %get3A_1498 = arith.index_cast %get3A_1497 : i32 to index
    %get3A_1499 = arith.constant 240 : index
    %get3A_1500 = tpu.vector_load %arg6[%get3A_1498, %get3A_1499] {strides = array<i32>} : memref<16x256xf32, #tpu.memory_space<vmem>>, vector<16xf32>,
    %add3A_1501 = arith.addf %add3A_1496, %get3A_1500 : vector<16xf32>
    %get3A_1502 = arith.constant 12 : i32
    %get3A_1503 = arith.index_cast %get3A_1502 : i32 to index
    %get3A_1504 = arith.constant 240 : index
    %get3A_1505 = tpu.vector_load %arg6[%get3A_1503, %get3A_1504] {strides = array<i32>} : memref<16x256xf32, #tpu.memory_space<vmem>>, vector<16xf32>,
    %add3A_1506 = arith.addf %add3A_1501, %get3A_1505 : vector<16xf32>
    %get3A_1507 = arith.constant 13 : i32
    %get3A_1508 = arith.index_cast %get3A_1507 : i32 to index
    %get3A_1509 = arith.constant 240 : index
    %get3A_1510 = tpu.vector_load %arg6[%get3A_1508, %get3A_1509] {strides = array<i32>} : memref<16x256xf32, #tpu.memory_space<vmem>>, vector<16xf32>,
    %add3A_1511 = arith.addf %add3A_1506, %get3A_1510 : vector<16xf32>
    %get3A_1512 = arith.constant 14 : i32
    %get3A_1513 = arith.index_cast %get3A_1512 : i32 to index
    %get3A_1514 = arith.constant 240 : index
    %get3A_1515 = tpu.vector_load %arg6[%get3A_1513, %get3A_1514] {strides = array<i32>} : memref<16x256xf32, #tpu.memory_space<vmem>>, vector<16xf32>,
    %add3A_1516 = arith.addf %add3A_1511, %get3A_1515 : vector<16xf32>
    %get3A_1517 = arith.constant 15 : i32
    %get3A_1518 = arith.index_cast %get3A_1517 : i32 to index
    %get3A_1519 = arith.constant 240 : index
    %get3A_1520 = tpu.vector_load %arg6[%get3A_1518, %get3A_1519] {strides = array<i32>} : memref<16x256xf32, #tpu.memory_space<vmem>>, vector<16xf32>,
    %add3A_1521 = arith.addf %add3A_1516, %get3A_1520 : vector<16xf32>
    %mul3A_1522 = arith.constant 1.250000e-01 : f32
    %mul3A_1523 = vector.broadcast %mul3A_1522 : f32 to vector<16xf32>
    %mul3A_1524 = arith.mulf %add3A_1521, %mul3A_1523 : vector<16xf32>
    %max3A_1525 = arith.maximumf %mul3A_894, %mul3A_936 : vector<16xf32>
    %max3A_1526 = arith.maximumf %max3A_1525, %mul3A_978 : vector<16xf32>
    %max3A_1527 = arith.maximumf %max3A_1526, %mul3A_1020 : vector<16xf32>
    %max3A_1528 = arith.maximumf %max3A_1527, %mul3A_1062 : vector<16xf32>
    %max3A_1529 = arith.maximumf %max3A_1528, %mul3A_1104 : vector<16xf32>
    %max3A_1530 = arith.maximumf %max3A_1529, %mul3A_1146 : vector<16xf32>
    %max3A_1531 = arith.maximumf %max3A_1530, %mul3A_1188 : vector<16xf32>
    %max3A_1532 = arith.maximumf %max3A_1531, %mul3A_1230 : vector<16xf32>
    %max3A_1533 = arith.maximumf %max3A_1532, %mul3A_1272 : vector<16xf32>
    %max3A_1534 = arith.maximumf %max3A_1533, %mul3A_1314 : vector<16xf32>
    %max3A_1535 = arith.maximumf %max3A_1534, %mul3A_1356 : vector<16xf32>
    %max3A_1536 = arith.maximumf %max3A_1535, %mul3A_1398 : vector<16xf32>
    %max3A_1537 = arith.maximumf %max3A_1536, %mul3A_1440 : vector<16xf32>
    %max3A_1538 = arith.maximumf %max3A_1537, %mul3A_1482 : vector<16xf32>
    %max3A_1539 = arith.maximumf %max3A_1538, %mul3A_1524 : vector<16xf32>
    %reduce_max3A_1540 = arith.constant true
    %reduce_max3A_1541 = vector.broadcast %reduce_max3A_1540 : i1 to vector<16xi1>
    %reduce_max3A_1542 = tpu.scan <max>, %max3A_1539 masked %reduce_max3A_1541 : vector<16xf32>, vector<16xi1> -> vector<16xf32>
    %reduce_max3A_1543 = vector.extract %reduce_max3A_1542[15] : f32 from vector<16xf32>
    %sub3A_1544 = vector.broadcast %reduce_max3A_1543 : f32 to vector<16xf32>
    %sub3A_1545 = arith.subf %mul3A_894, %sub3A_1544 : vector<16xf32>
    %exp3A_1546 = math.exp %sub3A_1545 : vector<16xf32>
    %sub3A_1547 = vector.broadcast %reduce_max3A_1543 : f32 to vector<16xf32>
    %sub3A_1548 = arith.subf %mul3A_936, %sub3A_1547 : vector<16xf32>
    %exp3A_1549 = math.exp %sub3A_1548 : vector<16xf32>
    %sub3A_1550 = vector.broadcast %reduce_max3A_1543 : f32 to vector<16xf32>
    %sub3A_1551 = arith.subf %mul3A_978, %sub3A_1550 : vector<16xf32>
    %exp3A_1552 = math.exp %sub3A_1551 : vector<16xf32>
    %sub3A_1553 = vector.broadcast %reduce_max3A_1543 : f32 to vector<16xf32>
    %sub3A_1554 = arith.subf %mul3A_1020, %sub3A_1553 : vector<16xf32>
    %exp3A_1555 = math.exp %sub3A_1554 : vector<16xf32>
    %sub3A_1556 = vector.broadcast %reduce_max3A_1543 : f32 to vector<16xf32>
    %sub3A_1557 = arith.subf %mul3A_1062, %sub3A_1556 : vector<16xf32>
    %exp3A_1558 = math.exp %sub3A_1557 : vector<16xf32>
    %sub3A_1559 = vector.broadcast %reduce_max3A_1543 : f32 to vector<16xf32>
    %sub3A_1560 = arith.subf %mul3A_1104, %sub3A_1559 : vector<16xf32>
    %exp3A_1561 = math.exp %sub3A_1560 : vector<16xf32>
    %sub3A_1562 = vector.broadcast %reduce_max3A_1543 : f32 to vector<16xf32>
    %sub3A_1563 = arith.subf %mul3A_1146, %sub3A_1562 : vector<16xf32>
    %exp3A_1564 = math.exp %sub3A_1563 : vector<16xf32>
    %sub3A_1565 = vector.broadcast %reduce_max3A_1543 : f32 to vector<16xf32>
    %sub3A_1566 = arith.subf %mul3A_1188, %sub3A_1565 : vector<16xf32>
    %exp3A_1567 = math.exp %sub3A_1566 : vector<16xf32>
    %sub3A_1568 = vector.broadcast %reduce_max3A_1543 : f32 to vector<16xf32>
    %sub3A_1569 = arith.subf %mul3A_1230, %sub3A_1568 : vector<16xf32>
    %exp3A_1570 = math.exp %sub3A_1569 : vector<16xf32>
    %sub3A_1571 = vector.broadcast %reduce_max3A_1543 : f32 to vector<16xf32>
    %sub3A_1572 = arith.subf %mul3A_1272, %sub3A_1571 : vector<16xf32>
    %exp3A_1573 = math.exp %sub3A_1572 : vector<16xf32>
    %sub3A_1574 = vector.broadcast %reduce_max3A_1543 : f32 to vector<16xf32>
    %sub3A_1575 = arith.subf %mul3A_1314, %sub3A_1574 : vector<16xf32>
    %exp3A_1576 = math.exp %sub3A_1575 : vector<16xf32>
    %sub3A_1577 = vector.broadcast %reduce_max3A_1543 : f32 to vector<16xf32>
    %sub3A_1578 = arith.subf %mul3A_1356, %sub3A_1577 : vector<16xf32>
    %exp3A_1579 = math.exp %sub3A_1578 : vector<16xf32>
    %sub3A_1580 = vector.broadcast %reduce_max3A_1543 : f32 to vector<16xf32>
    %sub3A_1581 = arith.subf %mul3A_1398, %sub3A_1580 : vector<16xf32>
    %exp3A_1582 = math.exp %sub3A_1581 : vector<16xf32>
    %sub3A_1583 = vector.broadcast %reduce_max3A_1543 : f32 to vector<16xf32>
    %sub3A_1584 = arith.subf %mul3A_1440, %sub3A_1583 : vector<16xf32>
    %exp3A_1585 = math.exp %sub3A_1584 : vector<16xf32>
    %sub3A_1586 = vector.broadcast %reduce_max3A_1543 : f32 to vector<16xf32>
    %sub3A_1587 = arith.subf %mul3A_1482, %sub3A_1586 : vector<16xf32>
    %exp3A_1588 = math.exp %sub3A_1587 : vector<16xf32>
    %sub3A_1589 = vector.broadcast %reduce_max3A_1543 : f32 to vector<16xf32>
    %sub3A_1590 = arith.subf %mul3A_1524, %sub3A_1589 : vector<16xf32>
    %exp3A_1591 = math.exp %sub3A_1590 : vector<16xf32>
    %add3A_1592 = arith.addf %exp3A_1546, %exp3A_1549 : vector<16xf32>
    %add3A_1593 = arith.addf %add3A_1592, %exp3A_1552 : vector<16xf32>
    %add3A_1594 = arith.addf %add3A_1593, %exp3A_1555 : vector<16xf32>
    %add3A_1595 = arith.addf %add3A_1594, %exp3A_1558 : vector<16xf32>
    %add3A_1596 = arith.addf %add3A_1595, %exp3A_1561 : vector<16xf32>
    %add3A_1597 = arith.addf %add3A_1596, %exp3A_1564 : vector<16xf32>
    %add3A_1598 = arith.addf %add3A_1597, %exp3A_1567 : vector<16xf32>
    %add3A_1599 = arith.addf %add3A_1598, %exp3A_1570 : vector<16xf32>
    %add3A_1600 = arith.addf %add3A_1599, %exp3A_1573 : vector<16xf32>
    %add3A_1601 = arith.addf %add3A_1600, %exp3A_1576 : vector<16xf32>
    %add3A_1602 = arith.addf %add3A_1601, %exp3A_1579 : vector<16xf32>
    %add3A_1603 = arith.addf %add3A_1602, %exp3A_1582 : vector<16xf32>
    %add3A_1604 = arith.addf %add3A_1603, %exp3A_1585 : vector<16xf32>
    %add3A_1605 = arith.addf %add3A_1604, %exp3A_1588 : vector<16xf32>
    %add3A_1606 = arith.addf %add3A_1605, %exp3A_1591 : vector<16xf32>
    %reduce_sum3A_1607 = arith.constant true
    %reduce_sum3A_1608 = vector.broadcast %reduce_sum3A_1607 : i1 to vector<16xi1>
    %reduce_sum3A_1609 = tpu.scan <sum>, %add3A_1606 masked %reduce_sum3A_1608 : vector<16xf32>, vector<16xi1> -> vector<16xf32>
    %reduce_sum3A_1610 = vector.extract %reduce_sum3A_1609[15] : f32 from vector<16xf32>
    %div3A_1611 = vector.broadcast %reduce_sum3A_1610 : f32 to vector<16xf32>
    %div3A_1612 = arith.divf %exp3A_1546, %div3A_1611 : vector<16xf32>
    %swap3A_1613 = arith.constant 1 : i32
    %swap3A_1614 = arith.index_cast %swap3A_1613 : i32 to index
    %swap3A_1615 = arith.constant 0 : index
    %swap3A_1616 = tpu.vector_load %arg7[%swap3A_1614, %swap3A_1615] {strides = array<i32>} : memref<2x256xf32, #tpu.memory_space<vmem>>, vector<16xf32>,
    tpu.vector_store %arg7[%swap3A_1614, %swap3A_1615], %div3A_1612 {strides = array<i32>} : memref<2x256xf32, #tpu.memory_space<vmem>>, vector<16xf32>,
    %div3A_1617 = vector.broadcast %reduce_sum3A_1610 : f32 to vector<16xf32>
    %div3A_1618 = arith.divf %exp3A_1549, %div3A_1617 : vector<16xf32>
    %swap3A_1619 = arith.constant 1 : i32
    %swap3A_1620 = arith.index_cast %swap3A_1619 : i32 to index
    %swap3A_1621 = arith.constant 16 : index
    %swap3A_1622 = tpu.vector_load %arg7[%swap3A_1620, %swap3A_1621] {strides = array<i32>} : memref<2x256xf32, #tpu.memory_space<vmem>>, vector<16xf32>,
    tpu.vector_store %arg7[%swap3A_1620, %swap3A_1621], %div3A_1618 {strides = array<i32>} : memref<2x256xf32, #tpu.memory_space<vmem>>, vector<16xf32>,
    %div3A_1623 = vector.broadcast %reduce_sum3A_1610 : f32 to vector<16xf32>
    %div3A_1624 = arith.divf %exp3A_1552, %div3A_1623 : vector<16xf32>
    %swap3A_1625 = arith.constant 1 : i32
    %swap3A_1626 = arith.index_cast %swap3A_1625 : i32 to index
    %swap3A_1627 = arith.constant 32 : index
    %swap3A_1628 = tpu.vector_load %arg7[%swap3A_1626, %swap3A_1627] {strides = array<i32>} : memref<2x256xf32, #tpu.memory_space<vmem>>, vector<16xf32>,
    tpu.vector_store %arg7[%swap3A_1626, %swap3A_1627], %div3A_1624 {strides = array<i32>} : memref<2x256xf32, #tpu.memory_space<vmem>>, vector<16xf32>,
    %div3A_1629 = vector.broadcast %reduce_sum3A_1610 : f32 to vector<16xf32>
    %div3A_1630 = arith.divf %exp3A_1555, %div3A_1629 : vector<16xf32>
    %swap3A_1631 = arith.constant 1 : i32
    %swap3A_1632 = arith.index_cast %swap3A_1631 : i32 to index
    %swap3A_1633 = arith.constant 48 : index
    %swap3A_1634 = tpu.vector_load %arg7[%swap3A_1632, %swap3A_1633] {strides = array<i32>} : memref<2x256xf32, #tpu.memory_space<vmem>>, vector<16xf32>,
    tpu.vector_store %arg7[%swap3A_1632, %swap3A_1633], %div3A_1630 {strides = array<i32>} : memref<2x256xf32, #tpu.memory_space<vmem>>, vector<16xf32>,
    %div3A_1635 = vector.broadcast %reduce_sum3A_1610 : f32 to vector<16xf32>
    %div3A_1636 = arith.divf %exp3A_1558, %div3A_1635 : vector<16xf32>
    %swap3A_1637 = arith.constant 1 : i32
    %swap3A_1638 = arith.index_cast %swap3A_1637 : i32 to index
    %swap3A_1639 = arith.constant 64 : index
    %swap3A_1640 = tpu.vector_load %arg7[%swap3A_1638, %swap3A_1639] {strides = array<i32>} : memref<2x256xf32, #tpu.memory_space<vmem>>, vector<16xf32>,
    tpu.vector_store %arg7[%swap3A_1638, %swap3A_1639], %div3A_1636 {strides = array<i32>} : memref<2x256xf32, #tpu.memory_space<vmem>>, vector<16xf32>,
    %div3A_1641 = vector.broadcast %reduce_sum3A_1610 : f32 to vector<16xf32>
    %div3A_1642 = arith.divf %exp3A_1561, %div3A_1641 : vector<16xf32>
    %swap3A_1643 = arith.constant 1 : i32
    %swap3A_1644 = arith.index_cast %swap3A_1643 : i32 to index
    %swap3A_1645 = arith.constant 80 : index
    %swap3A_1646 = tpu.vector_load %arg7[%swap3A_1644, %swap3A_1645] {strides = array<i32>} : memref<2x256xf32, #tpu.memory_space<vmem>>, vector<16xf32>,
    tpu.vector_store %arg7[%swap3A_1644, %swap3A_1645], %div3A_1642 {strides = array<i32>} : memref<2x256xf32, #tpu.memory_space<vmem>>, vector<16xf32>,
    %div3A_1647 = vector.broadcast %reduce_sum3A_1610 : f32 to vector<16xf32>
    %div3A_1648 = arith.divf %exp3A_1564, %div3A_1647 : vector<16xf32>
    %swap3A_1649 = arith.constant 1 : i32
    %swap3A_1650 = arith.index_cast %swap3A_1649 : i32 to index
    %swap3A_1651 = arith.constant 96 : index
    %swap3A_1652 = tpu.vector_load %arg7[%swap3A_1650, %swap3A_1651] {strides = array<i32>} : memref<2x256xf32, #tpu.memory_space<vmem>>, vector<16xf32>,
    tpu.vector_store %arg7[%swap3A_1650, %swap3A_1651], %div3A_1648 {strides = array<i32>} : memref<2x256xf32, #tpu.memory_space<vmem>>, vector<16xf32>,
    %div3A_1653 = vector.broadcast %reduce_sum3A_1610 : f32 to vector<16xf32>
    %div3A_1654 = arith.divf %exp3A_1567, %div3A_1653 : vector<16xf32>
    %swap3A_1655 = arith.constant 1 : i32
    %swap3A_1656 = arith.index_cast %swap3A_1655 : i32 to index
    %swap3A_1657 = arith.constant 112 : index
    %swap3A_1658 = tpu.vector_load %arg7[%swap3A_1656, %swap3A_1657] {strides = array<i32>} : memref<2x256xf32, #tpu.memory_space<vmem>>, vector<16xf32>,
    tpu.vector_store %arg7[%swap3A_1656, %swap3A_1657], %div3A_1654 {strides = array<i32>} : memref<2x256xf32, #tpu.memory_space<vmem>>, vector<16xf32>,
    %div3A_1659 = vector.broadcast %reduce_sum3A_1610 : f32 to vector<16xf32>
    %div3A_1660 = arith.divf %exp3A_1570, %div3A_1659 : vector<16xf32>
    %swap3A_1661 = arith.constant 1 : i32
    %swap3A_1662 = arith.index_cast %swap3A_1661 : i32 to index
    %swap3A_1663 = arith.constant 128 : index
    %swap3A_1664 = tpu.vector_load %arg7[%swap3A_1662, %swap3A_1663] {strides = array<i32>} : memref<2x256xf32, #tpu.memory_space<vmem>>, vector<16xf32>,
    tpu.vector_store %arg7[%swap3A_1662, %swap3A_1663], %div3A_1660 {strides = array<i32>} : memref<2x256xf32, #tpu.memory_space<vmem>>, vector<16xf32>,
    %div3A_1665 = vector.broadcast %reduce_sum3A_1610 : f32 to vector<16xf32>
    %div3A_1666 = arith.divf %exp3A_1573, %div3A_1665 : vector<16xf32>
    %swap3A_1667 = arith.constant 1 : i32
    %swap3A_1668 = arith.index_cast %swap3A_1667 : i32 to index
    %swap3A_1669 = arith.constant 144 : index
    %swap3A_1670 = tpu.vector_load %arg7[%swap3A_1668, %swap3A_1669] {strides = array<i32>} : memref<2x256xf32, #tpu.memory_space<vmem>>, vector<16xf32>,
    tpu.vector_store %arg7[%swap3A_1668, %swap3A_1669], %div3A_1666 {strides = array<i32>} : memref<2x256xf32, #tpu.memory_space<vmem>>, vector<16xf32>,
    %div3A_1671 = vector.broadcast %reduce_sum3A_1610 : f32 to vector<16xf32>
    %div3A_1672 = arith.divf %exp3A_1576, %div3A_1671 : vector<16xf32>
    %swap3A_1673 = arith.constant 1 : i32
    %swap3A_1674 = arith.index_cast %swap3A_1673 : i32 to index
    %swap3A_1675 = arith.constant 160 : index
    %swap3A_1676 = tpu.vector_load %arg7[%swap3A_1674, %swap3A_1675] {strides = array<i32>} : memref<2x256xf32, #tpu.memory_space<vmem>>, vector<16xf32>,
    tpu.vector_store %arg7[%swap3A_1674, %swap3A_1675], %div3A_1672 {strides = array<i32>} : memref<2x256xf32, #tpu.memory_space<vmem>>, vector<16xf32>,
    %div3A_1677 = vector.broadcast %reduce_sum3A_1610 : f32 to vector<16xf32>
    %div3A_1678 = arith.divf %exp3A_1579, %div3A_1677 : vector<16xf32>
    %swap3A_1679 = arith.constant 1 : i32
    %swap3A_1680 = arith.index_cast %swap3A_1679 : i32 to index
    %swap3A_1681 = arith.constant 176 : index
    %swap3A_1682 = tpu.vector_load %arg7[%swap3A_1680, %swap3A_1681] {strides = array<i32>} : memref<2x256xf32, #tpu.memory_space<vmem>>, vector<16xf32>,
    tpu.vector_store %arg7[%swap3A_1680, %swap3A_1681], %div3A_1678 {strides = array<i32>} : memref<2x256xf32, #tpu.memory_space<vmem>>, vector<16xf32>,
    %div3A_1683 = vector.broadcast %reduce_sum3A_1610 : f32 to vector<16xf32>
    %div3A_1684 = arith.divf %exp3A_1582, %div3A_1683 : vector<16xf32>
    %swap3A_1685 = arith.constant 1 : i32
    %swap3A_1686 = arith.index_cast %swap3A_1685 : i32 to index
    %swap3A_1687 = arith.constant 192 : index
    %swap3A_1688 = tpu.vector_load %arg7[%swap3A_1686, %swap3A_1687] {strides = array<i32>} : memref<2x256xf32, #tpu.memory_space<vmem>>, vector<16xf32>,
    tpu.vector_store %arg7[%swap3A_1686, %swap3A_1687], %div3A_1684 {strides = array<i32>} : memref<2x256xf32, #tpu.memory_space<vmem>>, vector<16xf32>,
    %div3A_1689 = vector.broadcast %reduce_sum3A_1610 : f32 to vector<16xf32>
    %div3A_1690 = arith.divf %exp3A_1585, %div3A_1689 : vector<16xf32>
    %swap3A_1691 = arith.constant 1 : i32
    %swap3A_1692 = arith.index_cast %swap3A_1691 : i32 to index
    %swap3A_1693 = arith.constant 208 : index
    %swap3A_1694 = tpu.vector_load %arg7[%swap3A_1692, %swap3A_1693] {strides = array<i32>} : memref<2x256xf32, #tpu.memory_space<vmem>>, vector<16xf32>,
    tpu.vector_store %arg7[%swap3A_1692, %swap3A_1693], %div3A_1690 {strides = array<i32>} : memref<2x256xf32, #tpu.memory_space<vmem>>, vector<16xf32>,
    %div3A_1695 = vector.broadcast %reduce_sum3A_1610 : f32 to vector<16xf32>
    %div3A_1696 = arith.divf %exp3A_1588, %div3A_1695 : vector<16xf32>
    %swap3A_1697 = arith.constant 1 : i32
    %swap3A_1698 = arith.index_cast %swap3A_1697 : i32 to index
    %swap3A_1699 = arith.constant 224 : index
    %swap3A_1700 = tpu.vector_load %arg7[%swap3A_1698, %swap3A_1699] {strides = array<i32>} : memref<2x256xf32, #tpu.memory_space<vmem>>, vector<16xf32>,
    tpu.vector_store %arg7[%swap3A_1698, %swap3A_1699], %div3A_1696 {strides = array<i32>} : memref<2x256xf32, #tpu.memory_space<vmem>>, vector<16xf32>,
    %div3A_1701 = vector.broadcast %reduce_sum3A_1610 : f32 to vector<16xf32>
    %div3A_1702 = arith.divf %exp3A_1591, %div3A_1701 : vector<16xf32>
    %swap3A_1703 = arith.constant 1 : i32
    %swap3A_1704 = arith.index_cast %swap3A_1703 : i32 to index
    %swap3A_1705 = arith.constant 240 : index
    %swap3A_1706 = tpu.vector_load %arg7[%swap3A_1704, %swap3A_1705] {strides = array<i32>} : memref<2x256xf32, #tpu.memory_space<vmem>>, vector<16xf32>,
    tpu.vector_store %arg7[%swap3A_1704, %swap3A_1705], %div3A_1702 {strides = array<i32>} : memref<2x256xf32, #tpu.memory_space<vmem>>, vector<16xf32>,
    %mul3A_1707 = arith.constant 2 : i32
    %mul3A_1708 = arith.muli %add3A, %mul3A_1707 : i32
    "tpu.region"() ({
      %run_scoped3A = tpu.sem_alloc : memref<!tpu.dma_semaphore, #tpu.memory_space<semaphore_mem>>
      %dma_start3A_1709 = arith.constant 0 : i32
      %dma_start3A_1710 = tpu.memref_slice %arg4[%mul3A_1708, %dma_start3A_1709] : memref<64x256xf32, #tpu.memory_space<hbm>> -> memref<2x256xf32, #tpu.memory_space<hbm>>
      %dma_start3A_1711 = arith.constant 0 : i32
      %dma_start3A_1712 = tpu.memref_slice %arg4[%mul3A_1708, %dma_start3A_1711] : memref<64x256xf32, #tpu.memory_space<hbm>> -> memref<2x256xf32, #tpu.memory_space<hbm>>
      tpu.enqueue_dma source(%arg7 : memref<2x256xf32, #tpu.memory_space<vmem>>) target(%dma_start3A_1712 : memref<2x256xf32, #tpu.memory_space<hbm>>) target_semaphore(%run_scoped3A : memref<!tpu.dma_semaphore, #tpu.memory_space<semaphore_mem>>)
      %dma_wait3A_1713 = arith.constant 0 : i32
      %dma_wait3A_1714 = tpu.memref_slice %arg4[%mul3A_1708, %dma_wait3A_1713] : memref<64x256xf32, #tpu.memory_space<hbm>> -> memref<2x256xf32, #tpu.memory_space<hbm>>
      %dma_wait3A_1715 = arith.constant 0 : i32
      %dma_wait3A_1716 = tpu.memref_slice %arg4[%mul3A_1708, %dma_wait3A_1715] : memref<64x256xf32, #tpu.memory_space<hbm>> -> memref<2x256xf32, #tpu.memory_space<hbm>>
      tpu.wait_dma2 semaphore(%run_scoped3A : memref<!tpu.dma_semaphore, #tpu.memory_space<semaphore_mem>>) src(%arg7 : memref<2x256xf32, #tpu.memory_space<vmem>>) dst(%dma_wait3A_1716 : memref<2x256xf32, #tpu.memory_space<hbm>>)
      tpu.yield
    }) : () -> ()
    return
  }
}

module attributes {stable_mosaic.version = 14 : i64} {
  func.func @_argmin_body(%arg0: i32, %arg1: memref<1x64x64xf32, #tpu.memory_space<vmem>>, %arg2: memref<1x64x8192xbf16, #tpu.memory_space<vmem>>, %arg3: memref<1x1x8192xf32, #tpu.memory_space<vmem>>, %arg4: memref<1x64x1xi32, #tpu.memory_space<vmem>>) attributes {dimension_semantics = [#tpu.dimension_semantics<arbitrary>], iteration_bounds = array<i64: 8>, scalar_prefetch = 0 : i64, scratch_operands = 0 : i64, tpu.core_type = #tpu.core_type<tc>, window_params = [{transform_indices = @transform_0, window_bounds = array<i64: 1, 64, 64>}, {transform_indices = @transform_1, window_bounds = array<i64: 1, 64, 8192>}, {transform_indices = @transform_2, window_bounds = array<i64: 1, 1, 8192>}, {transform_indices = @transform_3, window_bounds = array<i64: 1, 64, 1>}]} {
    %get3A = arith.constant 0 : index
    %get3A_0 = arith.constant 0 : index
    %get3A_1 = arith.constant 0 : index
    %get3A_2 = vector.load %arg1[%get3A, %get3A_0, %get3A_1] : memref<1x64x64xf32, #tpu.memory_space<vmem>>, vector<1x64x64xf32>
    %get3A_3 = vector.shape_cast %get3A_2 : vector<1x64x64xf32> to vector<64x64xf32>
    %get3A_4 = arith.constant 0 : index
    %get3A_5 = arith.constant 0 : index
    %get3A_6 = arith.constant 0 : index
    %get3A_7 = vector.load %arg2[%get3A_4, %get3A_5, %get3A_6] : memref<1x64x8192xbf16, #tpu.memory_space<vmem>>, vector<1x64x8192xbf16>
    %get3A_8 = vector.shape_cast %get3A_7 : vector<1x64x8192xbf16> to vector<64x8192xbf16>
    %mul3A = arith.mulf %get3A_3, %get3A_3 : vector<64x64xf32>
    %reduce_sum3A = arith.constant dense<0.000000e+00> : vector<64xf32>
    %reduce_sum3A_9 = vector.multi_reduction <add>, %mul3A, %reduce_sum3A [1] : vector<64x64xf32> to vector<64xf32>
    %broadcast_in_dim3A = vector.shape_cast %reduce_sum3A_9 : vector<64xf32> to vector<64x1xf32>
    %convert_element_type3A = arith.truncf %get3A_3 : vector<64x64xf32> to vector<64x64xbf16>
    %dot_general3A = arith.constant dense<0.000000e+00> : vector<64x8192xf32>
    %dot_general3A_10 = tpu.matmul %convert_element_type3A, %get3A_8, %dot_general3A {dimension_numbers = #tpu.dot_dimension_numbers<[1], [0], [0], [1], [0, 0, 1, 1], [], []>, transpose_lhs_hint = false} : vector<64x64xbf16>, vector<64x8192xbf16>, vector<64x8192xf32> -> vector<64x8192xf32>
    %get3A_11 = arith.constant 0 : index
    %get3A_12 = arith.constant 0 : index
    %get3A_13 = arith.constant 0 : index
    %get3A_14 = vector.load %arg3[%get3A_11, %get3A_12, %get3A_13] : memref<1x1x8192xf32, #tpu.memory_space<vmem>>, vector<1x1x8192xf32>
    %get3A_15 = vector.shape_cast %get3A_14 : vector<1x1x8192xf32> to vector<1x8192xf32>
    %add3A = vector.broadcast %broadcast_in_dim3A : vector<64x1xf32> to vector<64x8192xf32>
    %add3A_16 = vector.broadcast %get3A_15 : vector<1x8192xf32> to vector<64x8192xf32>
    %add3A_17 = arith.addf %add3A, %add3A_16 : vector<64x8192xf32>
    %mul3A_18 = arith.constant 2.000000e+00 : f32
    %mul3A_19 = vector.broadcast %mul3A_18 : f32 to vector<64x8192xf32>
    %mul3A_20 = arith.mulf %mul3A_19, %dot_general3A_10 : vector<64x8192xf32>
    %sub3A = arith.subf %add3A_17, %mul3A_20 : vector<64x8192xf32>
    %reduce_min3A = arith.constant dense<0x7F800000> : vector<64xf32>
    %reduce_min3A_21 = vector.multi_reduction <minimumf>, %sub3A, %reduce_min3A [1] : vector<64x8192xf32> to vector<64xf32>
    %broadcast_in_dim3A_22 = vector.shape_cast %reduce_min3A_21 : vector<64xf32> to vector<64x1xf32>
    %iota3A = tpu.iota {dimensions = array<i32: 1>} : vector<64x8192xi32>
    %eq3A = vector.broadcast %broadcast_in_dim3A_22 : vector<64x1xf32> to vector<64x8192xf32>
    %eq3A_23 = arith.cmpf oeq, %sub3A, %eq3A : vector<64x8192xf32>
    %jit3A = arith.constant 8192 : i32
    %broadcast_in_dim3A_24 = vector.broadcast %jit3A : i32 to vector<64x8192xi32>
    %select_n3A = arith.select %eq3A_23, %iota3A, %broadcast_in_dim3A_24 : vector<64x8192xi1>, vector<64x8192xi32>
    %reduce_min3A_25 = arith.constant dense<2147483647> : vector<64xi32>
    %reduce_min3A_26 = vector.multi_reduction <minsi>, %select_n3A, %reduce_min3A_25 [1] : vector<64x8192xi32> to vector<64xi32>
    %broadcast_in_dim3A_27 = vector.shape_cast %reduce_min3A_26 : vector<64xi32> to vector<64x1xi32>
    %mul3A_28 = arith.constant 8192 : i32
    %mul3A_29 = arith.muli %arg0, %mul3A_28 : i32
    %add3A_30 = vector.broadcast %mul3A_29 : i32 to vector<64x1xi32>
    %add3A_31 = arith.addi %broadcast_in_dim3A_27, %add3A_30 : vector<64x1xi32>
    %swap3A = arith.constant 0 : index
    %swap3A_32 = arith.constant 0 : index
    %swap3A_33 = arith.constant 0 : index
    %swap3A_34 = vector.load %arg4[%swap3A, %swap3A_32, %swap3A_33] : memref<1x64x1xi32, #tpu.memory_space<vmem>>, vector<1x64x1xi32>
    %swap3A_35 = vector.shape_cast %swap3A_34 : vector<1x64x1xi32> to vector<64x1xi32>
    %swap3A_36 = vector.shape_cast %add3A_31 : vector<64x1xi32> to vector<1x64x1xi32>
    tpu.vector_store %arg4[%swap3A, %swap3A_32, %swap3A_33], %swap3A_36 {strides = array<i32>} : memref<1x64x1xi32, #tpu.memory_space<vmem>>, vector<1x64x1xi32>,
    return
  }
  func.func @transform_0(%arg0: i32) -> (i32, i32, i32) {
    %c0_i32 = arith.constant 0 : i32
    %c0_i32_0 = arith.constant 0 : i32
    %c0_i32_1 = arith.constant 0 : i32
    return %arg0, %c0_i32, %c0_i32_0 : i32, i32, i32
  }
  func.func @transform_1(%arg0: i32) -> (i32, i32, i32) {
    %c0_i32 = arith.constant 0 : i32
    %c0_i32_0 = arith.constant 0 : i32
    %c0_i32_1 = arith.constant 0 : i32
    return %arg0, %c0_i32, %c0_i32_0 : i32, i32, i32
  }
  func.func @transform_2(%arg0: i32) -> (i32, i32, i32) {
    %c0_i32 = arith.constant 0 : i32
    %c0_i32_0 = arith.constant 0 : i32
    %c0_i32_1 = arith.constant 0 : i32
    return %arg0, %c0_i32, %c0_i32_0 : i32, i32, i32
  }
  func.func @transform_3(%arg0: i32) -> (i32, i32, i32) {
    %c0_i32 = arith.constant 0 : i32
    %c0_i32_0 = arith.constant 0 : i32
    %c0_i32_1 = arith.constant 0 : i32
    return %arg0, %c0_i32, %c0_i32_0 : i32, i32, i32
  }
}

</mosaic_0001>

<sc_bundles>
// kernel: kernel.4.cloned.1.call-start
scs
__scs_entry_jumppad:
0x0: {  	(pc) =	sbr.rel $0x88, $3  }
0x1: {  	(tag) =	ssettag $0x0;
	lr =	simm.s32 $0x1  }
0x2: {  	[smem:$0x3F9E] =	sst lr;
	_ =	strace $0xD0000000  }
0x3: {  	_ = 	snop  }
0x4: {  	_ = 	snop  }
0x5: {  	_ = 	snop  }
0x6: {  	_ = 	snop  }
0x7: {  	_ = 	snop  }
__scs_overlays_trampoline_lowered:
0x8: {  	[smem:$0x3FAD] =	sst s0  }
0x9: {  	[smem:$0x3FAE] =	sst s1  }
0xa: {  	[smem:$0x3FAF] =	sst s2  }
0xb: {  	[smem:$0x3FB0] =	sst s3  }
0xc: {  	[smem:$0x3FB1] =	sst s4  }
0xd: {  	[smem:$0x3FB2] =	sst s5  }
0xe: {  	[smem:$0x3FB3] =	sst s6  }
0xf: {  	[smem:$0x3FB4] =	sst s7  }
0x10: {  	[smem:$0x3FB5] =	sst s8  }
0x11: {  	[smem:$0x3FB6] =	sst s9;
	s0 =	simm.s32 @!p0 $0x0  }
0x12: {  	s1 =	sld [smem:$0x3F9C];
	s0 =	simm.s32 @p0 $0x1  }
0x13: {  	[smem:$0x3FB7] =	sst s0;
	s0 =	simm.s32 @!p1 $0x0  }
0x14: {  	s2 =	sld [smem:$0x3F9B];
	s0 =	simm.s32 @p1 $0x1  }
0x15: {  	[smem:$0x3FB8] =	sst s0;
	s0 =	simm.s32 @!p2 $0x0  }
0x16: {  	s3 =	sld [smem:$0x3FDB];
	s0 =	simm.s32 @p2 $0x1  }
0x17: {  	s4 =	simm.s32 $0x1BF5;
	[smem:$0x3FBA] =	sst s0  }
0x18: {  	s0 =	sld [smem:$0x3F9D];
	_ =	swait.ge [sflag:s4], $0x0  }
0x19: {  	s7 =	sld [smem:$0x3F9E]  }
0x1a: {  	s8 =	sadd.s32 $0xFFFFE003, lr  }
0x1b: {  	s9 =	sadd.s32 $0xFFFFFEF7, lr;
	s5 =	simm.s32 $0xFFFFFFFF;
	p2 =	slt.u32 s8, $0xFFFFF086  }
0x1c: {  	p1 =	slt.u32 s9, $0xF7A;
	s5 =	simm.s32 @!p2 $0x0  }
0x1d: {  	s5 =	simm.s32 @p1 $0x1;
	p0 =	seq.s32 s7, s2  }
0x1e: {  	s7 =	smul.u32 @!p0 $0xF7A, s2;
	p2 =	seq.s32 @!p0 s5, $0x0  }
0x1f: {  	s9 =	smul.u32 $0xF7A, s1;
	s8 =	simm.s32 @!p0 $0x1BF5;
	p2 =	por !p2, p0  }
0x20: {  	[sflag:s8] =	ssyncset.s32 @!p0 $0xFFFFF086;
	s6 =	sadd.s32 @!p0 s3, s7;
	s7 =	simm.s32 @!p0 $0x108  }
0x21: {  	s3 =	sadd.s32 s3, s9;
	s6 =	sadd.s32 @!p0 $0x88, s6;
	s7 =	simm.s32 @p2 $0x1082  }
0x22: {  	[simem:s7], [sflag:s8] =	dma.local @!p0 [hbm:s6], $0xF7A  }
0x23: {  	s9 =	sor.u32 $0xD0000000, s2;
	s6 =	simm.s32 $0x108;
	_ =	swait.ge @!p0 [sflag:s8], $0x0  }
0x24: {  	s3 =	sadd.s32 $0x88, s3;
	s6 =	simm.s32 @!p1 $0x1082;
	[sflag:s4] =	ssyncset.s32 $0xFFFFF086  }
0x25: {  	[simem:s6], [sflag:s4] =	dma.local [hbm:s3], $0xF7A  }
0x26: {  	[smem:$0x3F9E] =	sst s1;
	(tag) =	ssettag s2;
	_ =	strace s9  }
0x27: {  	s1 =	sld [smem:$0x3FAE]  }
0x28: {  	s2 =	sld [smem:$0x3FAF]  }
0x29: {  	s4 =	sld [smem:$0x3FB1]  }
0x2a: {  	p0 =	seq.s32 s5, $0x0;
	s5 =	sld [smem:$0x3FB2]  }
0x2b: {  	s6 =	sld [smem:$0x3FB3]  }
0x2c: {  	s7 =	sld [smem:$0x3FB4]  }
0x2d: {  	s3 =	simm.s32 $0x108;
	s8 =	sld [smem:$0x3FB5]  }
0x2e: {  	s3 =	simm.s32 @!p0 $0x1082;
	s9 =	sld [smem:$0x3FB6]  }
0x2f: {  	lr =	sadd.s32 s0, s3;
	s0 =	sld [smem:$0x3FAD]  }
0x30: {  	s3 =	sld [smem:$0x3FB0]  }
0x31: {  	[smem:$0x3FB9] =	sst s10  }
0x32: {  	s10 =	sld [smem:$0x3FB7];
	_ =	sdelay $0x3  }
0x33: {  	p0 =	seq.s32 s10, $0x1;
	s10 =	sld [smem:$0x3FB9];
	_ =	sdelay $0x3  }
0x34: {  	[smem:$0x3FB9] =	sst s10  }
0x35: {  	s10 =	sld [smem:$0x3FB8];
	_ =	sdelay $0x3  }
0x36: {  	p1 =	seq.s32 s10, $0x1;
	s10 =	sld [smem:$0x3FB9];
	_ =	sdelay $0x3  }
0x37: {  	[smem:$0x3FB9] =	sst s10  }
0x38: {  	s10 =	sld [smem:$0x3FBA]  }
0x39: {  	_ = 	snop;
	(pc) =	sbr.ind lr, $3  }
0x3a: {  	_ = 	snop  }
0x3b: {  	_ = 	snop  }
0x3c: {  	p2 =	seq.s32 s10, $0x1;
	s10 =	sld [smem:$0x3FB9]  }
0x3d: {  	_ =	shalt  }
0x3e: {  	_ =	shalt  }
0x3f: {  	_ =	shalt  }
0x40: {  	_ =	shalt  }
0x41: {  	_ =	shalt  }
0x42: {  	_ =	shalt  }
0x43: {  	_ =	shalt  }
0x44: {  	_ =	shalt  }
0x45: {  	_ =	shalt  }
0x46: {  	_ =	shalt  }
0x47: {  	_ =	shalt  }
0x48: {  	_ =	shalt  }
0x49: {  	_ =	shalt  }
0x4a: {  	_ =	shalt  }
0x4b: {  	_ =	shalt  }
0x4c: {  	_ =	shalt  }
0x4d: {  	_ =	shalt  }
0x4e: {  	_ =	shalt  }
0x4f: {  	_ =	shalt  }
0x50: {  	_ =	shalt  }
0x51: {  	_ =	shalt  }
0x52: {  	_ =	shalt  }
0x53: {  	_ =	shalt  }
0x54: {  	_ =	shalt  }
0x55: {  	_ =	shalt  }
0x56: {  	_ =	shalt  }
0x57: {  	_ =	shalt  }
0x58: {  	_ =	shalt  }
0x59: {  	_ =	shalt  }
0x5a: {  	_ =	shalt  }
0x5b: {  	_ =	shalt  }
0x5c: {  	_ =	shalt  }
0x5d: {  	_ =	shalt  }
0x5e: {  	_ =	shalt  }
0x5f: {  	_ =	shalt  }
0x60: {  	_ =	shalt  }
0x61: {  	_ =	shalt  }
0x62: {  	_ =	shalt  }
0x63: {  	_ =	shalt  }
0x64: {  	_ =	shalt  }
0x65: {  	_ =	shalt  }
0x66: {  	_ =	shalt  }
0x67: {  	_ =	shalt  }
0x68: {  	_ =	shalt  }
0x69: {  	_ =	shalt  }
0x6a: {  	_ =	shalt  }
0x6b: {  	_ =	shalt  }
0x6c: {  	_ =	shalt  }
0x6d: {  	_ =	shalt  }
0x6e: {  	_ =	shalt  }
0x6f: {  	_ =	shalt  }
0x70: {  	_ =	shalt  }
0x71: {  	_ =	shalt  }
0x72: {  	_ =	shalt  }
0x73: {  	_ =	shalt  }
0x74: {  	_ =	shalt  }
0x75: {  	_ =	shalt  }
0x76: {  	_ =	shalt  }
0x77: {  	_ =	shalt  }
0x78: {  	_ =	shalt  }
0x79: {  	_ =	shalt  }
0x7a: {  	_ =	shalt  }
0x7b: {  	_ =	shalt  }
0x7c: {  	_ =	shalt  }
0x7d: {  	_ =	shalt  }
0x7e: {  	_ =	shalt  }
0x7f: {  	_ =	shalt  }
0x80: {  	_ =	shalt  }
0x81: {  	_ =	shalt  }
0x82: {  	_ =	shalt  }
0x83: {  	_ =	shalt  }
0x84: {  	_ =	shalt  }
0x85: {  	_ =	shalt  }
0x86: {  	_ =	shalt  }
0x87: {  	_ =	shalt  }
.Lfunc_end0:
.L_simem_size_0:
called_computation_lowered:
.L_overlay_start_0:
0x88: {  	s2 =	sld [smem:$0x3FD9]  }
0x89: {  	s3 =	sld [smem:$0x3FFE];
	_ =	sdelay $0x1  }
0x8a: {  	s1 =	srdreg.scid  }
0x8b: {  	s0 =	sand.u32 $0x1, s1  }
0x8c: {  	s17 =	sshll.u32 s0, $0xA;
	s2 =	sadd.s32 s3, s2  }
0x8d: {  	s2 =	sadd.s32 s2, s17  }
0x8e: {  	[smem:$0x3FC5] =	sst s2  }
0x8f: {  	_ = 	snop  }
0x90: {  	s2 =	sld [smem:$0x3FC7]  }
0x91: {  	s18 =	sld [smem:$0x3FD0];
	(tm) =	ssettm $0x1  }
0x92: {  	s4 =	sld [smem:$0x3FFB];
	_ =	sdelay $0x3  }
0x93: {  	_ =	strace s4  }
0x94: {  	s4 =	sld [smem:$0x3FFC];
	_ =	sdelay $0x3  }
0x95: {  	_ =	strace s4  }
0x96: {  	s4 =	sld [smem:$0x3FFD];
	_ =	sdelay $0x3  }
0x97: {  	_ =	strace s4  }
0x98: {  	_ =	strace $0x8FFFFFFF  }
0x99: {  	s19 =	sld [smem:$0x3FDB];
	_ =	sdelay $0x1  }
0x9a: {  	s5 =	simm.s32 $_scs_section_size  }
0x9b: {  	s6 =	simm.s32 $_size__tile_overlayer_lowered;
	s7 =	simm.s32 $_tile_overlayer_lowered  }
0x9c: {  	s22 =	simm.s32 $0x1BFF;
	s21 =	sshll.u32 s7, $0x1;
	s4 =	sadd.s32 s5, s19  }
0x9d: {  	s8 =	simm.s32 $0x0;
	s20 =	sshll.u32 s6, $0x1;
	s6 =	sadd.s32 s21, s4  }
0x9e: {  	[timem:s8], [sflag:s22] =	dma.local [hbm:s6], s20  }
0x9f: {  	_ =	swait.ge [sflag:s22], s20  }
0xa0: {  	s5 =	ssub.s32 $0x0, s20;
	[sflag:s22] =	ssyncset.done $0x0  }
0xa1: {  	[sflag:s22] =	ssyncadd.s32 s5;
	_ =	sdelay $0x1  }
0xa2: {  	s23 =	simm.s32 $0x1B8B  }
0xa3: {  	_ =	swait.ge [sflag:s23], $0x1  }
0xa4: {  	[sflag:s23] =	ssyncset.done $0x0  }
0xa5: {  	s25 =	simm.s32 $0x1B8E;
	s24 =	sld [smem:$0x3FFE];
	[sflag:s23] =	ssyncadd.s32 $0xFFFFFFFF  }
0xa6: {  	s26 =	simm.s32 $execute0_lowered;
	[smem:$0x3FD2] =	sst s25  }
0xa7: {  	s6 =	sshll.u32 s26, $0x1;
	_ =	strace $0x80000046;
	[dreg:$0x1] =	wrdreg $0xFFFFFFFF  }
0xa8: {  	s28 =	simm.s32 $_size_execute0_lowered;
	s4 =	sadd.s32 s4, s6;
	[dreg:$0x0] =	wrdreg $0x0  }
0xa9: {  	s6 =	sshll.u32 s28, $0x1;
	[dreg:$0x2] =	wrdreg s4  }
0xaa: {  	[dreg:$0x3] =	wrdreg s6  }
0xab: {  	[dreg:$0x4] =	wrdreg $0xC0  }
0xac: {  	_ =	task [dreg:s8], $0x5FFFF  }
0xad: {  	[dreg:$0x1] =	wrdreg $0xFFFFFFFF  }
0xae: {  	[dreg:$0x0] =	wrdreg $0x60  }
0xaf: {  	[dreg:$0x2] =	wrdreg s2  }
0xb0: {  	[dreg:$0x3] =	wrdreg s24  }
0xb1: {  	[dreg:$0x4] =	wrdreg s18  }
0xb2: {  	[dreg:$0x5] =	wrdreg $0x9  }
0xb3: {  	_ =	task.clear_ibuf [dreg:s8], $0x6FFFF;
	_ =	strace $0x90000046  }
0xb4: {  	s29 =	simm.s32 $0x9;
	_ =	strace $0x80000048  }
0xb5: {  	_ =	swait.ge [sflag:s29], $0x1  }
0xb6: {  	[sflag:s29] =	ssyncadd.s32 $0xFFFFFFFF  }
0xb7: {  	_ =	strace $0x90000048  }
0xb8: {  	_ =	sfence  }
0xb9: {  	s30 =	sld [smem:$0x0];
	_ =	sdelay $0x2  }
0xba: {  	s31 =	sshll.u32 s1, $0xD;
	s1 =	sshrl.u32 s1, $0x2  }
0xbb: {  	s3 =	sand.u32 $0x4000, s31;
	s1 =	sadd.s32 s1, s30  }
0xbc: {  	s0 =	sor.u32 s3, s0;
	s1 =	sshll.u32 s1, $0x11  }
0xbd: {  	s0 =	sor.u32 s1, s0  }
0xbe: {  	s0 =	sadd.s32 $0x8F2B, s0  }
0xbf: {  	[sflag:s0] =	ssyncadd.remote.s32 $0x1  }
0xc0: {  	_ =	sfence.sel $0xFFFF  }
0xc1: {  	[dreg:$0x0] =	wrdreg $0xFFFFFFFF;
	(pc) =	sbr.abs _section_cstart, $3  }
0xc2: {  	[dreg:$0x1] =	wrdreg $0xFFFFFFFF  }
0xc3: {  	_ =	task.clear_ibuf [dreg:s8], $0x2FFFF;
	_ =	strace $0x9FFFFFFF  }
0xc4: {  	(tm) =	ssettm $0x7FFFFFFF  }
0xc5: {  	_ =	shalt  }
tec
execute0_lowered:
.L_overlay_start_1:
0x0: {  	(tag) =	ssettag $0x1  }
0x1: {  	s1 =	rddreg [dreg:$0x0]  }
0x2: {  	s4 =	rddreg [dreg:$0x1]  }
0x3: {  	s5 =	rddreg [dreg:$0x2];
	s2 =	srdreg.scid  }
0x4: {  	s0 =	rddreg [dreg:$0x3];
	s3 =	simm.s32 $0x0;
	s10 =	simm.s32 $0x1  }
0x5: {  	s11 =	simm.s32 $0x100;
	s12 =	simm.s32 $0x400;
	s13 =	simm.s32 $0x1080  }
0x6: {  	s6 =	sand.u32 $0x1, s2;
	[smem:$0x7FF] =	sst s3;
	s2 =	stileid.u32  }
0x7: {  	s7 =	ssub.s32 $0x2, s6;
	_ =	strace $0x80000047;
	s9 =	sshll.u32 s2, $0x1  }
0x8: {  	v0 =	vlaneseq.u32;
	s31 =	sshll.u32 s2, $0x7;
	s8 =	sshrl.u32 s7, $0x1;
	s6 =	sor.u32 s6, s9  }
0x9: {  	v1 =	vand.u32 $0x7, v0;
	v63 =	vshrl.u32 v0, $0x3;
	s7 =	ssub.s32 s7, s8;
	s9 =	sshll.u32 s6, $0x1;
	s6 =	sshll.u32 s6, $0x5  }
0xa: {  	v0 =	vor.u32 $0x8, v0;
	[tilespmem:$0x1FFD0] =	vst v1;
	v1 =	vmul.u32 $0x8, v63;
	s8 =	sand.u32 $0x700, s31;
	s4 =	sadd.s32 s4, s9;
	s6 =	sand.u32 $0x60, s6  }
0xb: {  	[tilespmem:$0x1FFF0] =	vst v0;
	s5 =	sadd.s32 s5, s8;
	s8 =	simm.s32 $0x80;
	s9 =	simm.s32 $0x880  }
0xc: {  	vm0 =	vmmov $0xffff;
	[tilespmem:$0x1FFE0] =	vst v1;
	s5 =	sadd.s32 s6, s5;
	s6 =	smax.u32 s7, $0x1;
	s7 =	simm.s32 $0x2  }
.LBB2_1:
0xd: {  	[tilespmem:s3], [sflag:$0x2] =	stream.linear.gather [hbm4b:s4+s3], $0x10, $0x38;
	[tilespmem:$0x1280] =	vst v63  }
0xe: {  	_ =	swait.ge [sflag:s7], $0x10  }
0xf: {  	[sflag:s7] =	ssyncset.done $0x0  }
0x10: {  	[sflag:s7] =	ssyncadd.s32 $0xFFFFFFF0  }
0x11: {  	v0 =	vld [tilespmem:$0x0];
	_ =	sdelay $0x2  }
0x12: {  	v16 =	vld [tilespmem:$0x1FFD0]  }
0x13: {  	v2 =	vld [tilespmem:$0x1FFE0]  }
0x14: {  	v3 =	vld [tilespmem:$0x1FFF0];
	v1 =	vshll.u32 v0, $0x1  }
0x15: {  	v0 =	vand.u32 $0x7, v0;
	v1 =	vand.u32 $0xFFFFFFF0, v1  }
0x16: {  	v0 =	vor.u32 v0, v1  }
0x17: {  	v1 =	vperm.xlane v0, v16;
	_ =	sdelay $0x1  }
0x18: {  	v0 =	vperm.xlane v0, v3;
	v1 =	vadd.s32 v2, v1;
	_ =	sdelay $0x1  }
0x19: {  	v0 =	vadd.s32 v2, v0;
	_ =	sdelay $0x2  }
0x1a: {  	[tilespmem:s8], [sflag:$0x1] =	stream.indirect_vreg.gather [hbm4b:s1+s3], $0x80, v1, vm0, $0xb8;
	[tilespmem:$0x1280] =	vst v63  }
0x1b: {  	_ = 	snop  }
0x1c: {  	[tilespmem:s9], [sflag:$0x1] =	stream.indirect_vreg.gather [hbm4b:s1+s3], $0x80, v0, vm0, $0xb8;
	[tilespmem:$0x1280] =	vst v63  }
0x1d: {  	_ =	swait.ge [sflag:s10], $0x1000  }
0x1e: {  	[sflag:s10] =	ssyncset.done $0x0  }
0x1f: {  	[sflag:s10] =	ssyncadd.s32 $0xFFFFF000  }
0x20: {  	v7 =	vld [tilespmem:$0x80]  }
0x21: {  	v8 =	vld [tilespmem:$0x100]  }
0x22: {  	v13 =	vld [tilespmem:$0x180]  }
0x23: {  	v23 =	vld [tilespmem:$0x200]  }
0x24: {  	v45 =	vld [tilespmem:$0x280]  }
0x25: {  	v53 =	vld [tilespmem:$0x300]  }
0x26: {  	v60 =	vld [tilespmem:$0x380]  }
0x27: {  	v37 =	vld [tilespmem:$0x400]  }
0x28: {  	v38 =	vld [tilespmem:$0x90]  }
0x29: {  	v49 =	vld [tilespmem:$0x110]  }
0x2a: {  	v4 =	vld [tilespmem:$0x190]  }
0x2b: {  	v6 =	vld [tilespmem:$0x210]  }
0x2c: {  	v12 =	vld [tilespmem:$0x290]  }
0x2d: {  	v21 =	vld [tilespmem:$0x310]  }
0x2e: {  	v26 =	vld [tilespmem:$0x390]  }
0x2f: {  	v35 =	vld [tilespmem:$0x410]  }
0x30: {  	v24 =	vld [tilespmem:$0xA0]  }
0x31: {  	v22 =	vld [tilespmem:$0x120]  }
0x32: {  	v33 =	vld [tilespmem:$0x1A0]  }
0x33: {  	v46 =	vld [tilespmem:$0x220]  }
0x34: {  	v17 =	vld [tilespmem:$0x2A0]  }
0x35: {  	v18 =	vld [tilespmem:$0x320]  }
0x36: {  	v19 =	vld [tilespmem:$0x3A0]  }
0x37: {  	v20 =	vld [tilespmem:$0x420]  }
0x38: {  	v11 =	vld [tilespmem:$0xB0]  }
0x39: {  	v10 =	vld [tilespmem:$0x130]  }
0x3a: {  	v30 =	vld [tilespmem:$0x230]  }
0x3b: {  	v48 =	vld [tilespmem:$0x2B0]  }
0x3c: {  	v61 =	vld [tilespmem:$0x330]  }
0x3d: {  	v25 =	vld [tilespmem:$0x3B0]  }
0x3e: {  	v27 =	vld [tilespmem:$0x430]  }
0x3f: {  	v1 =	vld [tilespmem:$0xC0]  }
0x40: {  	v0 =	vld [tilespmem:$0x140]  }
0x41: {  	v5 =	vld [tilespmem:$0x1C0]  }
0x42: {  	v14 =	vld [tilespmem:$0x240]  }
0x43: {  	v36 =	vld [tilespmem:$0x340]  }
0x44: {  	v56 =	vld [tilespmem:$0x3C0]  }
0x45: {  	v28 =	vld [tilespmem:$0x440]  }
0x46: {  	v3 =	vld [tilespmem:$0xD0]  }
0x47: {  	v2 =	vld [tilespmem:$0x150]  }
0x48: {  	v9 =	vld [tilespmem:$0x1D0]  }
0x49: {  	v42 =	vld [tilespmem:$0x350]  }
0x4a: {  	v52 =	vld [tilespmem:$0x3D0]  }
0x4b: {  	v15 =	vld [tilespmem:$0x450]  }
0x4c: {  	v51 =	vld [tilespmem:$0xE0]  }
0x4d: {  	v50 =	vld [tilespmem:$0x160]  }
0x4e: {  	v29 =	vld [tilespmem:$0x1E0]  }
0x4f: {  	v31 =	vld [tilespmem:$0x260]  }
0x50: {  	v32 =	vld [tilespmem:$0x2E0]  }
0x51: {  	v34 =	vld [tilespmem:$0x360]  }
0x52: {  	v39 =	vld [tilespmem:$0x3E0]  }
0x53: {  	v40 =	vld [tilespmem:$0x460]  }
0x54: {  	v44 =	vld [tilespmem:$0x1F0]  }
0x55: {  	v63 =	vld [tilespmem:$0x270]  }
0x56: {  	v41 =	vld [tilespmem:$0x2F0]  }
0x57: {  	v43 =	vld [tilespmem:$0x370]  }
0x58: {  	v47 =	vld [tilespmem:$0x3F0]  }
0x59: {  	v54 =	vld [tilespmem:$0x470]  }
0x5a: {  	v16 =	vld [tilespmem:$0x480]  }
0x5b: {  	v55 =	vld [tilespmem:$0x780]  }
0x5c: {  	v57 =	vld [tilespmem:$0x800]  }
0x5d: {  	v58 =	vld [tilespmem:$0x790]  }
0x5e: {  	v59 =	vld [tilespmem:$0x810]  }
0x5f: {  	v62 =	vld [tilespmem:$0x4A0]  }
0x60: {  	[tilespmem:$0x1FB30] =	vst v19;
	v19 =	vld [tilespmem:$0x1B0]  }
0x61: {  	[tilespmem:$0x1FB60] =	vst v27;
	v27 =	vld [tilespmem:$0x2C0]  }
0x62: {  	[tilespmem:$0x1FB10] =	vst v17;
	v17 =	vld [tilespmem:$0x250]  }
0x63: {  	[tilespmem:$0x1FB70] =	vst v28;
	v28 =	vld [tilespmem:$0x2D0]  }
0x64: {  	[tilespmem:$0x1FBB0] =	vst v32;
	v32 =	vld [tilespmem:$0xF0]  }
0x65: {  	[tilespmem:$0x1FBA0] =	vst v31;
	v31 =	vld [tilespmem:$0x170]  }
0x66: {  	[tilespmem:$0x1FB80] =	vst v15;
	v15 =	vld [tilespmem:$0x500]  }
0x67: {  	[tilespmem:$0x1FB40] =	vst v25;
	v25 =	vld [tilespmem:$0x580]  }
0x68: {  	[tilespmem:$0x1FBD0] =	vst v34;
	v34 =	vld [tilespmem:$0x600]  }
0x69: {  	[tilespmem:$0x1FC50] =	vst v54;
	v54 =	vld [tilespmem:$0x680]  }
0x6a: {  	[tilespmem:$0x1FB20] =	vst v18;
	v18 =	vld [tilespmem:$0x700]  }
0x6b: {  	[tilespmem:$0x1FB50] =	vst v20;
	v20 =	vld [tilespmem:$0x490]  }
0x6c: {  	[tilespmem:$0x1FB90] =	vst v29;
	v29 =	vld [tilespmem:$0x590]  }
0x6d: {  	[tilespmem:$0x1FC30] =	vst v40;
	v40 =	vld [tilespmem:$0x610]  }
0x6e: {  	[tilespmem:$0x1FC60] =	vst v57;
	v57 =	vld [tilespmem:$0x690]  }
0x6f: {  	[tilespmem:$0x1FC00] =	vst v39;
	v39 =	vld [tilespmem:$0x710]  }
0x70: {  	[tilespmem:$0x1FBE0] =	vst v43;
	v43 =	vld [tilespmem:$0x520]  }
0x71: {  	[tilespmem:$0x1FC10] =	vst v47;
	v47 =	vld [tilespmem:$0x5A0]  }
0x72: {  	[tilespmem:$0x1FC20] =	vst v55;
	v55 =	vld [tilespmem:$0x620]  }
0x73: {  	[tilespmem:$0x1FC70] =	vst v58;
	v58 =	vld [tilespmem:$0x6A0]  }
0x74: {  	[tilespmem:$0x1FCB0] =	vst v59;
	v59 =	vld [tilespmem:$0x720]  }
0x75: {  	[tilespmem:$0x1FC80] =	vst v62;
	v62 =	vld [tilespmem:$0x7A0]  }
0x76: {  	[tilespmem:$0x1FBC0] =	vst v41;
	v41 =	vld [tilespmem:$0x4C0];
	v7 =	vadd.f32 v8, v7  }
0x77: {  	v10 =	vadd.f32 v10, v11;
	v11 =	vld [tilespmem:$0x7F0];
	v2 =	vadd.f32 v2, v3  }
0x78: {  	v0 =	vadd.f32 v0, v1;
	v7 =	vadd.f32 v13, v7;
	v13 =	vld [tilespmem:$0x4E0]  }
0x79: {  	v2 =	vadd.f32 v9, v2;
	v9 =	vadd.f32 v50, v51;
	v50 =	vld [tilespmem:$0x1FBD0]  }
0x7a: {  	v0 =	vadd.f32 v5, v0;
	v51 =	vld [tilespmem:$0x1FBE0]  }
0x7b: {  	v7 =	vadd.f32 v23, v7;
	v23 =	vld [tilespmem:$0x6E0]  }
0x7c: {  	v0 =	vadd.f32 v14, v0;
	v14 =	vld [tilespmem:$0xB00]  }
0x7d: {  	[tilespmem:$0x1FBF0] =	vst v18;
	v18 =	vld [tilespmem:$0x510]  }
0x7e: {  	[tilespmem:$0x1FC90] =	vst v43;
	v43 =	vld [tilespmem:$0x820]  }
0x7f: {  	[tilespmem:$0x1FCC0] =	vst v47;
	v47 =	vld [tilespmem:$0x4B0]  }
0x80: {  	[tilespmem:$0x1FD80] =	vst v62;
	v62 =	vld [tilespmem:$0x530]  }
0x81: {  	[tilespmem:$0x1FCE0] =	vst v55;
	v55 =	vld [tilespmem:$0x5B0]  }
0x82: {  	[tilespmem:$0x1FD10] =	vst v58;
	v58 =	vld [tilespmem:$0x630]  }
0x83: {  	[tilespmem:$0x1FD40] =	vst v59;
	v59 =	vld [tilespmem:$0x6B0]  }
0x84: {  	[tilespmem:$0x1FC40] =	vst v39;
	v39 =	vld [tilespmem:$0x540]  }
0x85: {  	[tilespmem:$0x1FE70] =	vst v11;
	v11 =	vld [tilespmem:$0xA80]  }
0x86: {  	v2 =	vadd.f32 v17, v2;
	v17 =	vld [tilespmem:$0xB80]  }
0x87: {  	v7 =	vadd.f32 v45, v7;
	v45 =	vld [tilespmem:$0x760]  }
0x88: {  	v10 =	vadd.f32 v19, v10;
	v0 =	vadd.f32 v27, v0;
	v27 =	vld [tilespmem:$0xA00]  }
0x89: {  	[tilespmem:$0x1FE10] =	vst v13;
	v13 =	vld [tilespmem:$0x660]  }
0x8a: {  	v19 =	vadd.f32 v30, v10;
	v30 =	vld [tilespmem:$0x1FB30]  }
0x8b: {  	[tilespmem:$0x1FD20] =	vst v59;
	v59 =	vld [tilespmem:$0x740]  }
0x8c: {  	v10 =	vld [tilespmem:$0x890]  }
0x8d: {  	v2 =	vadd.f32 v28, v2;
	v28 =	vld [tilespmem:$0x1FBA0]  }
0x8e: {  	v0 =	vadd.f32 v36, v0;
	v36 =	vld [tilespmem:$0x1FB50]  }
0x8f: {  	[tilespmem:$0x1FE40] =	vst v23;
	v23 =	vld [tilespmem:$0x860]  }
0x90: {  	[tilespmem:$0x1FD70] =	vst v59;
	v59 =	vld [tilespmem:$0x650]  }
0x91: {  	v3 =	vadd.f32 v48, v19;
	v48 =	vld [tilespmem:$0xC00]  }
0x92: {  	v19 =	vadd.f32 v15, v16;
	v15 =	vld [tilespmem:$0xA90]  }
0x93: {  	[tilespmem:$0x1FDC0] =	vst v43;
	v43 =	vld [tilespmem:$0x730]  }
0x94: {  	[tilespmem:$0x1FCA0] =	vst v47;
	v47 =	vld [tilespmem:$0x7B0]  }
0x95: {  	[tilespmem:$0x1FD50] =	vst v59;
	v59 =	vld [tilespmem:$0x6D0]  }
0x96: {  	[tilespmem:$0x1FCD0] =	vst v55;
	v55 =	vld [tilespmem:$0x830]  }
0x97: {  	[tilespmem:$0x1FCF0] =	vst v58;
	v58 =	vld [tilespmem:$0x6C0]  }
0x98: {  	v0 =	vadd.f32 v56, v0;
	v56 =	vld [tilespmem:$0x1FB60]  }
0x99: {  	[tilespmem:$0x1FE50] =	vst v45;
	v45 =	vadd.f32 v22, v24;
	v22 =	vld [tilespmem:$0x1FB10]  }
0x9a: {  	[tilespmem:$0x1FD90] =	vst v59;
	v59 =	vld [tilespmem:$0x750]  }
0x9b: {  	v24 =	vld [tilespmem:$0x980]  }
0x9c: {  	[tilespmem:$0x1FE30] =	vst v13;
	v13 =	vld [tilespmem:$0x7E0]  }
0x9d: {  	[tilespmem:$0x1FE80] =	vst v23;
	v23 =	vld [tilespmem:$0x5F0]  }
0x9e: {  	[tilespmem:$0x1FEE0] =	vst v48;
	v48 =	vld [tilespmem:$0x1FBC0]  }
0x9f: {  	[tilespmem:$0x1FDD0] =	vst v59;
	v59 =	vld [tilespmem:$0x7D0]  }
0xa0: {  	[tilespmem:$0x1FDE0] =	vst v55;
	v55 =	vld [tilespmem:$0x5C0]  }
0xa1: {  	[tilespmem:$0x1FDA0] =	vst v47;
	v47 =	vld [tilespmem:$0x7C0]  }
0xa2: {  	[tilespmem:$0x1FD60] =	vst v43;
	v43 =	vld [tilespmem:$0x640]  }
0xa3: {  	[tilespmem:$0x1FD30] =	vst v58;
	v58 =	vld [tilespmem:$0x840]  }
0xa4: {  	[tilespmem:$0x1FE00] =	vst v59;
	v59 =	vld [tilespmem:$0x850]  }
0xa5: {  	[tilespmem:$0x1FE60] =	vst v13;
	v13 =	vld [tilespmem:$0x4F0]  }
0xa6: {  	[tilespmem:$0x1FDB0] =	vst v47;
	v47 =	vld [tilespmem:$0x4D0]  }
0xa7: {  	[tilespmem:$0x1FD00] =	vst v43;
	v43 =	vld [tilespmem:$0x550]  }
0xa8: {  	[tilespmem:$0x1FDF0] =	vst v58;
	v58 =	vld [tilespmem:$0x5D0]  }
0xa9: {  	[tilespmem:$0x1FE20] =	vst v59;
	v59 =	vadd.f32 v49, v38;
	v38 =	vld [tilespmem:$0x560]  }
0xaa: {  	v49 =	vld [tilespmem:$0x5E0]  }
0xab: {  	v4 =	vadd.f32 v4, v59;
	v59 =	vadd.f32 v53, v7;
	v7 =	vld [tilespmem:$0x570]  }
0xac: {  	v53 =	vld [tilespmem:$0x6F0]  }
0xad: {  	v4 =	vadd.f32 v6, v4;
	v6 =	vadd.f32 v60, v59;
	v60 =	vld [tilespmem:$0x670]  }
0xae: {  	v59 =	vadd.f32 v33, v45;
	v45 =	vld [tilespmem:$0x770]  }
0xaf: {  	v33 =	vld [tilespmem:$0x1FB40]  }
0xb0: {  	v4 =	vadd.f32 v12, v4;
	v12 =	vld [tilespmem:$0x870]  }
0xb1: {  	v1 =	vadd.f32 v46, v59;
	v59 =	vld [tilespmem:$0x1FB70]  }
0xb2: {  	v8 =	vadd.f32 v37, v6;
	v6 =	vld [tilespmem:$0x990]  }
0xb3: {  	v46 =	vadd.f32 v42, v2;
	v2 =	vld [tilespmem:$0xA10]  }
0xb4: {  	v42 =	vld [tilespmem:$0x1FBB0]  }
0xb5: {  	v4 =	vadd.f32 v21, v4;
	v21 =	vld [tilespmem:$0x880]  }
0xb6: {  	v3 =	vadd.f32 v61, v3;
	v1 =	vadd.f32 v22, v1;
	v22 =	vld [tilespmem:$0x1FB90]  }
0xb7: {  	v61 =	vadd.f32 v52, v46;
	v52 =	vld [tilespmem:$0x1FBF0]  }
0xb8: {  	v3 =	vadd.f32 v33, v3;
	v33 =	vld [tilespmem:$0x910]  }
0xb9: {  	v7 =	vadd.f32 v7, v13;
	v4 =	vadd.f32 v26, v4;
	v26 =	vld [tilespmem:$0x1FB20]  }
0xba: {  	[tilespmem:$0x1FE90] =	vst v12;
	v12 =	vadd.f32 v31, v32;
	v32 =	vld [tilespmem:$0xB10]  }
0xbb: {  	v7 =	vadd.f32 v23, v7;
	v31 =	vadd.f32 v18, v20;
	v20 =	vld [tilespmem:$0x1FC50]  }
0xbc: {  	v37 =	vadd.f32 v35, v4;
	v35 =	vld [tilespmem:$0x900]  }
0xbd: {  	v7 =	vadd.f32 v60, v7;
	v60 =	vld [tilespmem:$0x1FE90]  }
0xbe: {  	[tilespmem:$0x1FEA0] =	vst v21;
	v21 =	vld [tilespmem:$0x1FB80]  }
0xbf: {  	[tilespmem:$0x1FEB0] =	vst v24;
	v24 =	vadd.f32 v44, v12;
	v44 =	vld [tilespmem:$0xC10]  }
0xc0: {  	v4 =	vadd.f32 v29, v31;
	v29 =	vld [tilespmem:$0x920]  }
0xc1: {  	v12 =	vld [tilespmem:$0x1FC40]  }
0xc2: {  	v31 =	vld [tilespmem:$0x1FC90]  }
0xc3: {  	v7 =	vadd.f32 v53, v7;
	v53 =	vld [tilespmem:$0xB50]  }
0xc4: {  	v10 =	vadd.f32 v33, v10;
	v33 =	vld [tilespmem:$0x970]  }
0xc5: {  	v1 =	vadd.f32 v26, v1;
	v26 =	vadd.f32 v25, v19;
	v19 =	vld [tilespmem:$0xB20]  }
0xc6: {  	v25 =	vld [tilespmem:$0x1FC70]  }
0xc7: {  	v45 =	vadd.f32 v45, v7;
	v7 =	vld [tilespmem:$0xF00]  }
0xc8: {  	v4 =	vadd.f32 v40, v4;
	[tilespmem:$0x1FEF0] =	vst v32;
	v32 =	vld [tilespmem:$0xC20]  }
0xc9: {  	v6 =	vadd.f32 v6, v10;
	v10 =	vld [tilespmem:$0xA70];
	v1 =	vadd.f32 v30, v1  }
0xca: {  	v30 =	vadd.f32 v56, v3;
	v3 =	vadd.f32 v34, v26;
	v34 =	vld [tilespmem:$0xB90]  }
0xcb: {  	v56 =	vld [tilespmem:$0x1FC00]  }
0xcc: {  	v4 =	vadd.f32 v57, v4;
	v57 =	vld [tilespmem:$0xA20]  }
0xcd: {  	v46 =	vadd.f32 v21, v61;
	v21 =	vld [tilespmem:$0x8A0]  }
0xce: {  	v61 =	vld [tilespmem:$0x1FC20]  }
0xcf: {  	v3 =	vadd.f32 v54, v3;
	v54 =	vld [tilespmem:$0x9A0]  }
0xd0: {  	[tilespmem:$0x1FEC0] =	vst v27;
	v27 =	vadd.f32 v36, v1;
	v36 =	vadd.f32 v59, v0;
	v59 =	vld [tilespmem:$0x1FC10]  }
0xd1: {  	v1 =	vadd.f32 v63, v24;
	v63 =	vld [tilespmem:$0xAA0]  }
0xd2: {  	v0 =	vadd.f32 v22, v9;
	v9 =	vld [tilespmem:$0x1FC30]  }
0xd3: {  	v22 =	vld [tilespmem:$0x1FC60]  }
0xd4: {  	v24 =	vld [tilespmem:$0xBA0]  }
0xd5: {  	v16 =	vadd.f32 v12, v4;
	v4 =	vld [tilespmem:$0x1FD00]  }
0xd6: {  	v2 =	vadd.f32 v2, v6;
	v12 =	vld [tilespmem:$0xAB0]  }
0xd7: {  	[tilespmem:$0x1FF40] =	vst v19;
	v19 =	vld [tilespmem:$0xB30]  }
0xd8: {  	v15 =	vadd.f32 v15, v2;
	v2 =	vld [tilespmem:$0xD80]  }
0xd9: {  	v0 =	vadd.f32 v28, v0;
	v28 =	vld [tilespmem:$0x1FC80]  }
0xda: {  	v26 =	vadd.f32 v25, v16;
	v25 =	vld [tilespmem:$0x930]  }
0xdb: {  	v16 =	vld [tilespmem:$0x1FD10]  }
0xdc: {  	[tilespmem:$0x1FF80] =	vst v32;
	v32 =	vld [tilespmem:$0xC30]  }
0xdd: {  	v1 =	vadd.f32 v48, v1;
	v48 =	vadd.f32 v39, v41;
	v41 =	vld [tilespmem:$0x1FD60]  }
0xde: {  	v0 =	vadd.f32 v42, v0;
	v42 =	vld [tilespmem:$0x1FCA0]  }
0xdf: {  	v1 =	vadd.f32 v51, v1;
	v51 =	vld [tilespmem:$0x1FCC0]  }
0xe0: {  	[tilespmem:$0x1FF00] =	vst v57;
	v57 =	vadd.f32 v55, v48;
	v48 =	vld [tilespmem:$0x1FD80]  }
0xe1: {  	v55 =	vld [tilespmem:$0x1FDB0]  }
0xe2: {  	[tilespmem:$0x1FED0] =	vst v54;
	v54 =	vld [tilespmem:$0x1FCD0]  }
0xe3: {  	v3 =	vadd.f32 v52, v3;
	[tilespmem:$0x1FF20] =	vst v63;
	v63 =	vld [tilespmem:$0x1FCF0]  }
0xe4: {  	[tilespmem:$0x1FF60] =	vst v24;
	v24 =	vld [tilespmem:$0xBB0]  }
0xe5: {  	v3 =	vadd.f32 v61, v3;
	v0 =	vadd.f32 v50, v0;
	v50 =	vld [tilespmem:$0x1FCB0]  }
0xe6: {  	v1 =	vadd.f32 v59, v1;
	v59 =	vld [tilespmem:$0x1FCE0]  }
0xe7: {  	v40 =	vadd.f32 v22, v3;
	v22 =	vld [tilespmem:$0x1FD30]  }
0xe8: {  	[tilespmem:$0x1FF90] =	vst v19;
	v19 =	vld [tilespmem:$0x940]  }
0xe9: {  	v3 =	vadd.f32 v31, v28;
	v31 =	vld [tilespmem:$0x8B0]  }
0xea: {  	v28 =	vld [tilespmem:$0x1FD50]  }
0xeb: {  	[tilespmem:$0x1FF10] =	vst v34;
	v34 =	vadd.f32 v20, v1;
	v20 =	vld [tilespmem:$0x1FD20]  }
0xec: {  	v5 =	vadd.f32 v56, v0;
	v0 =	vld [tilespmem:$0x1FEE0]  }
0xed: {  	[tilespmem:$0x1FF30] =	vst v44;
	v44 =	vadd.f32 v62, v42;
	v42 =	vld [tilespmem:$0x9B0]  }
0xee: {  	v62 =	vld [tilespmem:$0xA30]  }
0xef: {  	v61 =	vadd.f32 v43, v47;
	[tilespmem:$0x1FFA0] =	vst v24;
	v24 =	vld [tilespmem:$0x9C0]  }
0xf0: {  	v18 =	vadd.f32 v9, v5;
	v5 =	vadd.f32 v4, v57;
	v57 =	vld [tilespmem:$0x1FDD0]  }
0xf1: {  	v9 =	vadd.f32 v58, v61;
	v58 =	vld [tilespmem:$0x1FDE0]  }
0xf2: {  	v4 =	vld [tilespmem:$0x1FE10]  }
0xf3: {  	v39 =	vadd.f32 v50, v26;
	v26 =	vld [tilespmem:$0x1FD40]  }
0xf4: {  	v52 =	vadd.f32 v51, v3;
	v56 =	vadd.f32 v54, v44;
	v44 =	vld [tilespmem:$0x1FD70]  }
0xf5: {  	v50 =	vld [tilespmem:$0x1FD90]  }
0xf6: {  	v1 =	vadd.f32 v59, v52;
	v52 =	vld [tilespmem:$0x1FDA0]  }
0xf7: {  	v59 =	vld [tilespmem:$0x1FDF0]  }
0xf8: {  	v5 =	vadd.f32 v22, v5;
	v22 =	vld [tilespmem:$0x8C0]  }
0xf9: {  	v25 =	vadd.f32 v25, v31;
	v31 =	vld [tilespmem:$0xD90]  }
0xfa: {  	v3 =	vadd.f32 v63, v56;
	v56 =	vld [tilespmem:$0x1FDC0]  }
0xfb: {  	[tilespmem:$0x1FF50] =	vst v62;
	v62 =	vld [tilespmem:$0x1FE00]  }
0xfc: {  	v1 =	vadd.f32 v16, v1;
	v42 =	vadd.f32 v42, v25;
	v25 =	vld [tilespmem:$0x1FF30]  }
0xfd: {  	v38 =	vadd.f32 v38, v4;
	v4 =	vld [tilespmem:$0xE00]  }
0xfe: {  	v9 =	vadd.f32 v28, v9;
	v1 =	vadd.f32 v26, v1;
	v26 =	vld [tilespmem:$0xA40]  }
0xff: {  	v47 =	vadd.f32 v44, v5;
	v5 =	vld [tilespmem:$0xBC0]  }
0x100: {  	v3 =	vadd.f32 v20, v3;
	v51 =	vadd.f32 v50, v9;
	v9 =	vld [tilespmem:$0x1FE20]  }
0x101: {  	v50 =	vld [tilespmem:$0x9D0]  }
0x102: {  	[tilespmem:$0x1FFC0] =	vst v32;
	v43 =	vadd.f32 v41, v3;
	v32 =	vadd.f32 v57, v51;
	v51 =	vld [tilespmem:$0x1FE30]  }
0x103: {  	v8 =	vmul.f32 $1.250000000e-01, v8;
	v13 =	vmul.f32 $1.250000000e-01, v37;
	v38 =	vadd.f32 v49, v38;
	v49 =	vld [tilespmem:$0x950]  }
0x104: {  	v23 =	vmul.f32 $1.250000000e-01, v30;
	v46 =	vmul.f32 $1.250000000e-01, v46;
	v54 =	vadd.f32 v52, v43;
	v52 =	vld [tilespmem:$0x1FE40]  }
0x105: {  	v19 =	vadd.f32 v19, v22;
	v22 =	vld [tilespmem:$0xE10];
	v28 =	vadd.f32 v55, v47;
	v47 =	vmul.f32 $1.250000000e-01, v27  }
0x106: {  	v20 =	vmax.f32 v8, v13;
	v1 =	vadd.f32 v48, v1;
	v41 =	vadd.f32 v58, v54;
	v54 =	vld [tilespmem:$0x1FE50]  }
0x107: {  	v36 =	vmul.f32 $1.250000000e-01, v36;
	v27 =	vld [tilespmem:$0xC40];
	v30 =	vmax.f32 v20, v47;
	v38 =	vadd.f32 v51, v38  }
0x108: {  	v34 =	vmul.f32 $1.250000000e-01, v34;
	v43 =	vadd.f32 v56, v1;
	v56 =	vld [tilespmem:$0x1FE60];
	v30 =	vmax.f32 v30, v23  }
0x109: {  	v18 =	vmul.f32 $1.250000000e-01, v18;
	v58 =	vld [tilespmem:$0x1FE70];
	v30 =	vmax.f32 v30, v36;
	v38 =	vadd.f32 v52, v38  }
0x10a: {  	v61 =	vadd.f32 v59, v28;
	v63 =	vadd.f32 v62, v32;
	v59 =	vld [tilespmem:$0x1FE80];
	v30 =	vmax.f32 v30, v46  }
0x10b: {  	v40 =	vmul.f32 $1.250000000e-01, v40;
	v48 =	vld [tilespmem:$0x8D0];
	v30 =	vmax.f32 v30, v18;
	v38 =	vadd.f32 v54, v38  }
0x10c: {  	[tilespmem:$0x1FF70] =	vst v12;
	v39 =	vmul.f32 $1.250000000e-01, v39;
	v28 =	vld [tilespmem:$0xAC0];
	v12 =	vadd.f32 v9, v63;
	v55 =	vmax.f32 v30, v34  }
0x10d: {  	v32 =	vld [tilespmem:$0xB40];
	v43 =	vmul.f32 $1.250000000e-01, v43;
	v57 =	vmax.f32 v55, v40;
	v38 =	vadd.f32 v56, v38  }
0x10e: {  	v20 =	vld [tilespmem:$0xC50];
	v41 =	vmul.f32 $1.250000000e-01, v41;
	v45 =	vadd.f32 v58, v45;
	v54 =	vmax.f32 v57, v39  }
0x10f: {  	v62 =	vld [tilespmem:$0x1FEB0];
	v44 =	vmul.f32 $1.250000000e-01, v61;
	v54 =	vmax.f32 v54, v43;
	v38 =	vadd.f32 v59, v38  }
0x110: {  	v61 =	vld [tilespmem:$0x1FEA0];
	v37 =	vmul.f32 $1.250000000e-01, v12;
	v45 =	vadd.f32 v60, v45;
	v54 =	vmax.f32 v54, v41  }
0x111: {  	v1 =	vld [tilespmem:$0xD00];
	v54 =	vmax.f32 v54, v44;
	v38 =	vmul.f32 $1.250000000e-01, v38  }
0x112: {  	[tilespmem:$0x1FFB0] =	vst v5;
	v5 =	vld [tilespmem:$0xE80];
	v45 =	vmul.f32 $1.250000000e-01, v45;
	v54 =	vmax.f32 v54, v37  }
0x113: {  	v63 =	vld [tilespmem:$0x1FEC0];
	v54 =	vmax.f32 v54, v38  }
0x114: {  	v9 =	vld [tilespmem:$0xF80];
	v54 =	vmax.f32 v54, v45  }
0x115: {  	v51 =	vld [tilespmem:$0xA50];
	v35 =	vadd.f32 v35, v61;
	(xrf0) =	vmax.scan.msk.f32 $0xffff, v54  }
0x116: {  	v12 =	vld [tilespmem:$0xB70]  }
0x117: {  	v52 =	vld [tilespmem:$0xAD0];
	v35 =	vadd.f32 v62, v35  }
0x118: {  	v62 =	vld [tilespmem:$0x8F0]  }
0x119: {  	v30 =	vld [tilespmem:$0xBD0];
	v35 =	vadd.f32 v63, v35  }
0x11a: {  	v55 =	vld [tilespmem:$0x8E0]  }
0x11b: {  	v58 =	vld [tilespmem:$0xA60];
	v35 =	vadd.f32 v11, v35;
	v3, _, _ =	vpop (xrf0)  }
0x11c: {  	v21 =	vadd.f32 v29, v21;
	v57 =	vld [tilespmem:$0x9E0];
	v6 =	vbroadcast v3, $0xF  }
0x11d: {  	v61 =	vld [tilespmem:$0xBE0];
	v33 =	vadd.f32 v33, v62;
	v35 =	vadd.f32 v14, v35  }
0x11e: {  	v60 =	vld [tilespmem:$0xB60];
	v29 =	vsub.f32 v8, v6;
	v13 =	vsub.f32 v13, v6  }
0x11f: {  	v56 =	vld [tilespmem:$0x960];
	v47 =	vsub.f32 v47, v6;
	v23 =	vsub.f32 v23, v6  }
0x120: {  	v59 =	vld [tilespmem:$0xAE0];
	v36 =	vsub.f32 v36, v6;
	v46 =	vsub.f32 v46, v6  }
0x121: {  	v63 =	vld [tilespmem:$0x9F0];
	v18 =	vsub.f32 v18, v6;
	v16 =	vsub.f32 v34, v6  }
0x122: {  	v11 =	vld [tilespmem:$0xAF0];
	v34 =	vsub.f32 v40, v6;
	v39 =	vsub.f32 v39, v6  }
0x123: {  	v62 =	vld [tilespmem:$0xD30];
	v43 =	vsub.f32 v43, v6;
	v41 =	vsub.f32 v41, v6  }
0x124: {  	v14 =	vld [tilespmem:$0xBF0];
	v40 =	vsub.f32 v44, v6;
	v44 =	vsub.f32 v37, v6  }
0x125: {  	v37 =	vsub.f32 v38, v6;
	v45 =	vsub.f32 v45, v6;
	v6 =	vld [tilespmem:$0x1FED0]  }
0x126: {  	v33 =	vadd.f32 v63, v33;
	v63 =	vld [tilespmem:$0xDB0]  }
0x127: {  	v3 =	vld [tilespmem:$0x1FF00]  }
0x128: {  	v54 =	vld [tilespmem:$0xC60];
	v35 =	vadd.f32 v17, v35  }
0x129: {  	v17 =	vld [tilespmem:$0xC70];
	v10 =	vadd.f32 v10, v33  }
0x12a: {  	v35 =	vadd.f32 v0, v35;
	v0 =	vld [tilespmem:$0x1FEF0];
	v6 =	vadd.f32 v6, v21  }
0x12b: {  	v10 =	vadd.f32 v11, v10;
	v11 =	vld [tilespmem:$0xFB0]  }
0x12c: {  	v6 =	vadd.f32 v3, v6;
	v3 =	vld [tilespmem:$0x1FF10]  }
0x12d: {  	v33 =	vadd.f32 v12, v10;
	v10 =	vld [tilespmem:$0xCC0]  }
0x12e: {  	v12 =	vld [tilespmem:$0xEC0]  }
0x12f: {  	v15 =	vadd.f32 v0, v15;
	v8 =	vld [tilespmem:$0xC80]  }
0x130: {  	v0 =	vld [tilespmem:$0xD10]  }
0x131: {  	v15 =	vadd.f32 v3, v15;
	v3 =	vld [tilespmem:$0x1FF20]  }
0x132: {  	v38 =	vld [tilespmem:$0x1000]  }
0x133: {  	v29 =	vmul.f32 $1.442695020e+00, v29;
	v25 =	vadd.f32 v25, v15;
	v15 =	vadd.f32 v24, v19;
	v24 =	vld [tilespmem:$0x1FF40]  }
0x134: {  	v13 =	vmul.f32 $1.442695020e+00, v13;
	v21 =	vld [tilespmem:$0xC90];
	v8 =	vadd.f32 v1, v8  }
0x135: {  	(erf) = vpow2.f32 v29;
	v15 =	vadd.f32 v26, v15;
	v26 =	vadd.f32 v49, v48;
	v49 =	vld [tilespmem:$0x1FF60]  }
0x136: {  	(erf) = vpow2.f32 v13;
	v13 =	vld [tilespmem:$0xEB0];
	v6 =	vadd.f32 v3, v6  }
0x137: {  	v2 =	vadd.f32 v2, v8;
	v28 =	vadd.f32 v28, v15;
	v15 =	vld [tilespmem:$0x1FF80]  }
0x138: {  	v6 =	vadd.f32 v24, v6;
	v24 =	vld [tilespmem:$0x1FF50]  }
0x139: {  	v8 =	vld [tilespmem:$0xE30];
	v2 =	vadd.f32 v4, v2  }
0x13a: {  	v6 =	vadd.f32 v49, v6;
	v49 =	vld [tilespmem:$0x1FF70]  }
0x13b: {  	v0 =	vadd.f32 v0, v21;
	v21 =	vld [tilespmem:$0xDC0];
	v2 =	vadd.f32 v5, v2  }
0x13c: {  	v26 =	vadd.f32 v50, v26;
	v15 =	vadd.f32 v15, v6;
	v6 =	vld [tilespmem:$0x1FF90]  }
0x13d: {  	v2 =	vadd.f32 v7, v2;
	v7 =	vld [tilespmem:$0xD40];
	v24 =	vadd.f32 v24, v42  }
0x13e: {  	v31 =	vadd.f32 v31, v0;
	v26 =	vadd.f32 v51, v26;
	v51 =	vld [tilespmem:$0x1FFA0]  }
0x13f: {  	v19 =	vld [tilespmem:$0xF10];
	v24 =	vadd.f32 v49, v24  }
0x140: {  	v4 =	vadd.f32 v22, v31;
	v22 =	vld [tilespmem:$0xFC0]  }
0x141: {  	v2 =	vadd.f32 v9, v2;
	v9 =	vld [tilespmem:$0xE40];
	v6 =	vadd.f32 v6, v24  }
0x142: {  	v48 =	vld [tilespmem:$0x1010]  }
0x143: {  	v6 =	vadd.f32 v51, v6;
	v51 =	vadd.f32 v56, v55;
	v56 =	vld [tilespmem:$0x1FFB0]  }
0x144: {  	v3 =	vld [tilespmem:$0xE90]  }
0x145: {  	v5 =	vadd.f32 v14, v33;
	v2 =	vadd.f32 v38, v2;
	v38 =	vld [tilespmem:$0xDD0]  }
0x146: {  	v50 =	vld [tilespmem:$0xD20];
	v28 =	vadd.f32 v32, v28;
	v52 =	vadd.f32 v52, v26  }
0x147: {  	v36 =	vmul.f32 $1.442695020e+00, v36;
	v29 =	vmul.f32 $1.442695020e+00, v47;
	v17 =	vadd.f32 v17, v5;
	v49 =	vld [tilespmem:$0xCA0]  }
0x148: {  	v46 =	vmul.f32 $1.442695020e+00, v46;
	v52 =	vadd.f32 v53, v52;
	v56 =	vadd.f32 v56, v28;
	v28 =	vld [tilespmem:$0x1FFC0]  }
0x149: {  	v16 =	vmul.f32 $1.442695020e+00, v16;
	(erf) = vpow2.f32 v29;
	v10 =	vadd.f32 v7, v10;
	v32 =	vld [tilespmem:$0xE20]  }
0x14a: {  	v17 =	vmul.f32 $1.250000000e-01, v17;
	v25 =	vmul.f32 $1.250000000e-01, v25;
	v26 =	vld [tilespmem:$0xF20];
	v30 =	vadd.f32 v30, v52  }
0x14b: {  	v2 =	vmul.f32 $1.250000000e-01, v2;
	v10 =	vadd.f32 v21, v10;
	v42 =	vld [tilespmem:$0xF90];
	v57 =	vadd.f32 v57, v51  }
0x14c: {  	v24 =	vld [tilespmem:$0xDA0];
	v1 =	vadd.f32 v20, v30;
	v30 =	vmul.f32 $1.442695020e+00, v23;
	v47 =	vadd.f32 v50, v49  }
0x14d: {  	v50 =	vmul.f32 $1.442695020e+00, v18;
	v18 =	vld [tilespmem:$0xF40];
	v28 =	vadd.f32 v28, v6;
	v6 =	vadd.f32 v58, v57  }
0x14e: {  	v4 =	vadd.f32 v3, v4;
	v10 =	vadd.f32 v9, v10;
	v53 =	vld [tilespmem:$0x1020];
	v15 =	vmul.f32 $1.250000000e-01, v15  }
0x14f: {  	(erf) = vpow2.f32 v30;
	v27 =	vadd.f32 v27, v56;
	v56 =	vld [tilespmem:$0xCB0];
	v6 =	vadd.f32 v59, v6  }
0x150: {  	v12 =	vadd.f32 v12, v10;
	v52 =	vmul.f32 $1.442695020e+00, v41;
	v41 =	vld [tilespmem:$0xF60];
	(erf) = vpow2.f32 v36  }
0x151: {  	(erf) = vpow2.f32 v46;
	v49 =	vadd.f32 v24, v47;
	v24 =	vld [tilespmem:$0x1040];
	v6 =	vadd.f32 v60, v6  }
0x152: {  	v3 =	vpop (erf);
	v55 =	vld [tilespmem:$0xEA0];
	v36 =	vmul.f32 $1.442695020e+00, v39;
	(erf) = vpow2.f32 v50;
	v18 =	vadd.f32 v18, v12  }
0x153: {  	v20 =	vld [tilespmem:$0xF30];
	v47 =	vmul.f32 $1.442695020e+00, v43;
	v5 =	vadd.f32 v32, v49;
	v6 =	vadd.f32 v61, v6  }
0x154: {  	v23 =	vld [tilespmem:$0x1030];
	v18 =	vadd.f32 v22, v18;
	v27 =	vmul.f32 $1.250000000e-01, v27;
	v56 =	vadd.f32 v62, v56  }
0x155: {  	v51 =	vld [tilespmem:$0xFA0];
	v57 =	vmul.f32 $1.442695020e+00, v40;
	v0 =	vadd.f32 v54, v6;
	v54 =	vadd.f32 v19, v4;
	v4 =	vpop (erf)  }
0x156: {  	v46 =	vld [tilespmem:$0xED0];
	v18 =	vadd.f32 v24, v18;
	v40 =	vmul.f32 $1.442695020e+00, v45;
	v58 =	vadd.f32 v4, v3  }
0x157: {  	v59 =	vadd.f32 v55, v5;
	v60 =	vld [tilespmem:$0xCD0];
	v61 =	vmul.f32 $1.442695020e+00, v34;
	v19 =	vadd.f32 v63, v56;
	v5 =	vpop (erf)  }
0x158: {  	v45 =	vmul.f32 $1.250000000e-01, v35;
	(erf) = vpow2.f32 v16;
	v63 =	vld [tilespmem:$0xD50];
	v62 =	vadd.f32 v58, v5  }
0x159: {  	v49 =	vld [tilespmem:$0xCE0];
	v16 =	vadd.f32 v26, v59;
	(erf) = vpow2.f32 v61;
	v6 =	vpop (erf);
	v8 =	vadd.f32 v8, v19  }
0x15a: {  	v28 =	vmul.f32 $1.250000000e-01, v28;
	v56 =	vld [tilespmem:$0xE60];
	v14 =	vadd.f32 v42, v54;
	v39 =	vadd.f32 v62, v6  }
0x15b: {  	v18 =	vmul.f32 $1.250000000e-01, v18;
	v16 =	vadd.f32 v51, v16;
	v51 =	vld [tilespmem:$0xD60];
	v7 =	vpop (erf);
	v13 =	vadd.f32 v13, v8  }
0x15c: {  	v42 =	vld [tilespmem:$0xE50];
	(erf) = vpow2.f32 v36;
	v32 =	vadd.f32 v48, v14;
	v30 =	vadd.f32 v39, v7  }
0x15d: {  	v59 =	vld [tilespmem:$0xCF0];
	(erf) = vpow2.f32 v47;
	v14 =	vadd.f32 v63, v60;
	v8 =	vpop (erf);
	v13 =	vadd.f32 v20, v13  }
0x15e: {  	v54 =	vld [tilespmem:$0xDE0];
	v34 =	vadd.f32 v53, v16;
	v60 =	vmul.f32 $1.442695020e+00, v44;
	v50 =	vadd.f32 v30, v8  }
0x15f: {  	v61 =	vld [tilespmem:$0xD70];
	(erf) = vpow2.f32 v52;
	v9 =	vpop (erf);
	v55 =	vadd.f32 v38, v14;
	v11 =	vadd.f32 v11, v13  }
0x160: {  	v48 =	vld [tilespmem:$0xF50];
	v16 =	vadd.f32 v51, v49;
	v38 =	vmul.f32 $1.442695020e+00, v37;
	v20 =	vadd.f32 v50, v9  }
0x161: {  	v36 =	vld [tilespmem:$0xDF0];
	v49 =	vmax.f32 v45, v25;
	v10 =	vpop (erf);
	v23 =	vadd.f32 v23, v11;
	v11 =	vadd.f32 v42, v55  }
0x162: {  	v53 =	vld [tilespmem:$0xFD0];
	v51 =	vmul.f32 $1.250000000e-01, v1;
	v12 =	vpop (erf);
	(erf) = vpow2.f32 v57;
	v58 =	vadd.f32 v20, v10  }
0x163: {  	v26 =	vmax.f32 v49, v15;
	v63 =	vadd.f32 v54, v16;
	v42 =	vld [tilespmem:$0xE70];
	v11 =	vadd.f32 v46, v11  }
0x164: {  	v62 =	vld [tilespmem:$0xEE0];
	(erf) = vpow2.f32 v60;
	v20 =	vadd.f32 v61, v59;
	v19 =	vadd.f32 v58, v12  }
0x165: {  	v54 =	vmul.f32 $1.250000000e-01, v0;
	v14 =	vpop (erf);
	v13 =	vadd.f32 v56, v63;
	v46 =	vld [tilespmem:$0xEF0];
	v11 =	vadd.f32 v48, v11  }
0x166: {  	v39 =	vld [tilespmem:$0x1050];
	(erf) = vpow2.f32 v38;
	v20 =	vadd.f32 v36, v20;
	v19 =	vadd.f32 v19, v14  }
0x167: {  	v50 =	vld [tilespmem:$0xF70];
	v60 =	vmul.f32 $1.250000000e-01, v32;
	v16 =	vpop (erf);
	(erf) = vpow2.f32 v40;
	v11 =	vadd.f32 v53, v11  }
0x168: {  	v44 =	vld [tilespmem:$0xFE0];
	v53 =	vmax.f32 v26, v28;
	v20 =	vadd.f32 v42, v20;
	v19 =	vadd.f32 v19, v16  }
0x169: {  	v56 =	vld [tilespmem:$0xFF0];
	v63 =	vmul.f32 $1.250000000e-01, v23;
	v43 =	vadd.f32 v62, v13;
	v13 =	vpop (erf);
	v22 =	vmax.f32 v53, v27  }
0x16a: {  	v48 =	vld [tilespmem:$0x1060];
	v22 =	vmax.f32 v22, v51;
	v55 =	vadd.f32 v46, v20;
	v19 =	vadd.f32 v19, v13  }
0x16b: {  	v57 =	vld [tilespmem:$0x1070];
	v47 =	vadd.f32 v41, v43;
	v24 =	vadd.f32 v39, v11;
	v58 =	vmax.f32 v22, v54;
	v11 =	vpop (erf)  }
0x16c: {  	v1 =	vmax.f32 v58, v17;
	v59 =	vadd.f32 v50, v55;
	v19 =	vadd.f32 v19, v11  }
0x16d: {  	v61 =	vmul.f32 $1.250000000e-01, v34;
	v52 =	vadd.f32 v44, v47;
	v0 =	vpop (erf);
	v62 =	vmax.f32 v1, v2  }
0x16e: {  	v35 =	vmax.f32 v62, v60;
	v20 =	vadd.f32 v56, v59;
	v19 =	vadd.f32 v19, v0  }
0x16f: {  	v21 =	vadd.f32 v48, v52;
	v24 =	vmul.f32 $1.250000000e-01, v24;
	v1 =	vpop (erf);
	v23 =	vmax.f32 v35, v61  }
0x170: {  	v23 =	vmax.f32 v23, v63;
	v20 =	vadd.f32 v57, v20;
	v19 =	vadd.f32 v19, v1  }
0x171: {  	v21 =	vmul.f32 $1.250000000e-01, v21;
	v31 =	vpop (erf);
	v23 =	vmax.f32 v23, v18  }
0x172: {  	v23 =	vmax.f32 v23, v24;
	v20 =	vmul.f32 $1.250000000e-01, v20;
	v19 =	vadd.f32 v19, v31  }
0x173: {  	v23 =	vmax.f32 v23, v21  }
0x174: {  	v36 =	vmax.f32 v23, v20;
	(xrf2) =	vadd.scan.msk.f32 $0xffff, v19  }
0x175: {  	(xrf0) =	vmax.scan.msk.f32 $0xffff, v36;
	_ =	sdelay $0x5  }
0x176: {  	v19, _, _ =	vpop (xrf0)  }
0x177: {  	v19 =	vbroadcast v19, $0xF;
	_ =	sdelay $0x1  }
0x178: {  	v29 =	vsub.f32 v45, v19;
	v37, _, _ =	vpop (xrf2)  }
0x179: {  	v25 =	vsub.f32 v25, v19;
	v23 =	vbroadcast v37, $0xF  }
0x17a: {  	v29 =	vmul.f32 $1.442695020e+00, v29  }
0x17b: {  	v15 =	vsub.f32 v15, v19;
	v38 =	vmul.f32 $1.442695020e+00, v25;
	(erf) = vrcp.f32 v23  }
0x17c: {  	(erf) = vpow2.f32 v29  }
0x17d: {  	v39 =	vsub.f32 v28, v19;
	v15 =	vmul.f32 $1.442695020e+00, v15;
	(erf) = vpow2.f32 v38;
	_ =	sdelay $0x1  }
0x17e: {  	v41 =	vsub.f32 v27, v19;
	v40 =	vmul.f32 $1.442695020e+00, v39;
	(erf) = vpow2.f32 v15;
	_ =	sdelay $0x1  }
0x17f: {  	v43 =	vsub.f32 v51, v19;
	v42 =	vmul.f32 $1.442695020e+00, v41;
	(erf) = vpow2.f32 v40;
	_ =	sdelay $0x1  }
0x180: {  	v45 =	vsub.f32 v54, v19;
	v44 =	vmul.f32 $1.442695020e+00, v43;
	(erf) = vpow2.f32 v42  }
0x181: {  	v46 =	vpop (erf)  }
0x182: {  	v17 =	vsub.f32 v17, v19;
	v47 =	vmul.f32 $1.442695020e+00, v45;
	(erf) = vpow2.f32 v44;
	v26 =	vpop (erf)  }
0x183: {  	v2 =	vsub.f32 v2, v19;
	v23 =	vpop (erf)  }
0x184: {  	v17 =	vmul.f32 $1.442695020e+00, v17;
	(erf) = vpow2.f32 v47;
	v48 =	vadd.f32 v23, v26  }
0x185: {  	v49 =	vsub.f32 v60, v19;
	v27 =	vpop (erf)  }
0x186: {  	v2 =	vmul.f32 $1.442695020e+00, v2;
	(erf) = vpow2.f32 v17;
	v15 =	vadd.f32 v48, v27  }
0x187: {  	v50 =	vsub.f32 v61, v19;
	v28 =	vpop (erf)  }
0x188: {  	v51 =	vmul.f32 $1.442695020e+00, v49;
	(erf) = vpow2.f32 v2;
	v15 =	vadd.f32 v15, v28  }
0x189: {  	v29 =	vmul.f32 $1.442695020e+00, v50;
	v17 =	vpop (erf)  }
0x18a: {  	v52 =	vsub.f32 v63, v19;
	(erf) = vpow2.f32 v51;
	v15 =	vadd.f32 v15, v17  }
0x18b: {  	v18 =	vsub.f32 v18, v19;
	v53 =	vpop (erf)  }
0x18c: {  	v2 =	vmul.f32 $1.442695020e+00, v52;
	(erf) = vpow2.f32 v29;
	v15 =	vadd.f32 v15, v53  }
0x18d: {  	v24 =	vsub.f32 v24, v19;
	v29 =	vpop (erf)  }
0x18e: {  	v54 =	vmul.f32 $1.442695020e+00, v18;
	(erf) = vpow2.f32 v2;
	v15 =	vadd.f32 v15, v29  }
0x18f: {  	v55 =	vsub.f32 v21, v19;
	v18 =	vpop (erf)  }
0x190: {  	v24 =	vmul.f32 $1.442695020e+00, v24;
	(erf) = vpow2.f32 v54;
	v15 =	vadd.f32 v15, v18  }
0x191: {  	v19 =	vsub.f32 v20, v19;
	v56 =	vpop (erf)  }
0x192: {  	v2 =	vmul.f32 $1.442695020e+00, v55;
	(erf) = vpow2.f32 v24;
	v15 =	vadd.f32 v15, v56  }
0x193: {  	v20 =	vpop (erf)  }
0x194: {  	v57 =	vmul.f32 $1.442695020e+00, v19;
	(erf) = vpow2.f32 v2;
	v15 =	vadd.f32 v15, v20  }
0x195: {  	v19 =	vpop (erf)  }
0x196: {  	(erf) = vpow2.f32 v57;
	v58 =	vadd.f32 v15, v19  }
0x197: {  	v59 =	vpop (erf)  }
0x198: {  	v2 =	vadd.f32 v58, v59  }
0x199: {  	v60 =	vpop (erf)  }
0x19a: {  	v2 =	vadd.f32 v2, v60  }
0x19b: {  	v61 =	vpop (erf)  }
0x19c: {  	v2 =	vadd.f32 v2, v61  }
0x19d: {  	v32 =	vpop (erf)  }
0x19e: {  	v2 =	vadd.f32 v2, v32  }
0x19f: {  	v33 =	vpop (erf)  }
0x1a0: {  	v2 =	vadd.f32 v2, v33;
	_ =	sdelay $0x1  }
0x1a1: {  	(xrf2) =	vadd.scan.msk.f32 $0xffff, v2;
	_ =	sdelay $0x6  }
0x1a2: {  	v62 =	vmul.f32 v46, v3  }
0x1a3: {  	v63 =	vmul.f32 v46, v4  }
0x1a4: {  	v34 =	vmul.f32 v46, v5;
	[tilespmem:$0x1080] =	vst v62  }
0x1a5: {  	v35 =	vmul.f32 v46, v6;
	[tilespmem:$0x1090] =	vst v63;
	v36, _, _ =	vpop (xrf2)  }
0x1a6: {  	v37 =	vmul.f32 v46, v7;
	[tilespmem:$0x10A0] =	vst v34;
	v4 =	vbroadcast v36, $0xF  }
0x1a7: {  	v38 =	vmul.f32 v46, v8;
	[tilespmem:$0x10B0] =	vst v35  }
0x1a8: {  	v39 =	vmul.f32 v46, v9;
	[tilespmem:$0x10C0] =	vst v37;
	(erf) = vrcp.f32 v4  }
0x1a9: {  	v40 =	vmul.f32 v46, v10;
	[tilespmem:$0x10D0] =	vst v38  }
0x1aa: {  	v41 =	vmul.f32 v46, v12;
	[tilespmem:$0x10E0] =	vst v39  }
0x1ab: {  	v42 =	vmul.f32 v46, v14;
	[tilespmem:$0x10F0] =	vst v40  }
0x1ac: {  	v43 =	vmul.f32 v46, v16;
	[tilespmem:$0x1180] =	vst v41  }
0x1ad: {  	v44 =	vmul.f32 v46, v13;
	[tilespmem:$0x1190] =	vst v42  }
0x1ae: {  	v45 =	vmul.f32 v46, v11;
	[tilespmem:$0x11A0] =	vst v43  }
0x1af: {  	v0 =	vmul.f32 v46, v0;
	[tilespmem:$0x11B0] =	vst v44  }
0x1b0: {  	v1 =	vmul.f32 v46, v1;
	[tilespmem:$0x11C0] =	vst v45  }
0x1b1: {  	v46 =	vmul.f32 v46, v31;
	[tilespmem:$0x11D0] =	vst v0;
	v47 =	vpop (erf)  }
0x1b2: {  	[tilespmem:$0x11E0] =	vst v1;
	v48 =	vmul.f32 v47, v26  }
0x1b3: {  	[tilespmem:$0x11F0] =	vst v46;
	v49 =	vmul.f32 v47, v23  }
0x1b4: {  	v50 =	vmul.f32 v47, v27;
	[tilespmem:$0x1100] =	vst v48  }
0x1b5: {  	v51 =	vmul.f32 v47, v28;
	[tilespmem:$0x1110] =	vst v49  }
0x1b6: {  	v52 =	vmul.f32 v47, v17;
	[tilespmem:$0x1120] =	vst v50  }
0x1b7: {  	v53 =	vmul.f32 v47, v53;
	[tilespmem:$0x1130] =	vst v51  }
0x1b8: {  	v54 =	vmul.f32 v47, v29;
	[tilespmem:$0x1140] =	vst v52  }
0x1b9: {  	v55 =	vmul.f32 v47, v18;
	[tilespmem:$0x1150] =	vst v53  }
0x1ba: {  	v56 =	vmul.f32 v47, v56;
	[tilespmem:$0x1160] =	vst v54  }
0x1bb: {  	v57 =	vmul.f32 v47, v20;
	[tilespmem:$0x1170] =	vst v55  }
0x1bc: {  	v58 =	vmul.f32 v47, v19;
	[tilespmem:$0x1200] =	vst v56  }
0x1bd: {  	v59 =	vmul.f32 v47, v59;
	[tilespmem:$0x1210] =	vst v57  }
0x1be: {  	v60 =	vmul.f32 v47, v60;
	[tilespmem:$0x1220] =	vst v58  }
0x1bf: {  	v61 =	vmul.f32 v47, v61;
	[tilespmem:$0x1230] =	vst v59  }
0x1c0: {  	v62 =	vmul.f32 v47, v32;
	[tilespmem:$0x1240] =	vst v60  }
0x1c1: {  	v63 =	vmul.f32 v47, v33;
	[tilespmem:$0x1250] =	vst v61  }
0x1c2: {  	p0 =	sne.s32 s6, $0x1;
	[tilespmem:$0x1260] =	vst v62  }
.Ltmp0:
0x1c3: {  	[tilespmem:$0x1270] =	vst v63;
	(pc) =	sbr.rel @p0 .LBB2_1-.Ltmp0, $4  }
0x1c4: {  	[hbm4b:s5+s11] =	stream.strided.scatter [tilespmem:s13], [sflag:$0x2], $0x200, s12, s11, $0x38;
	[tilespmem:$0x1280] =	vst v63  }
0x1c5: {  	_ =	swait.ge [sflag:s7], $0x200  }
0x1c6: {  	[sflag:s7] =	ssyncset.done $0x0  }
0x1c7: {  	s6 =	sadd.s32 $0xFFFFFFFF, s6;
	[sflag:s7] =	ssyncadd.s32 $0xFFFFFE00  }
0x1c8: {  	_ =	sfence.sel $0x180000  }
0x1c9: {  	[bflag:$0x0] =	sbarrier.arrive $0xFFFF  }
0x1ca: {  	p0 =	sne.s32 s2, $0x0;
	_ =	strace $0x90000047  }
0x1cb: {  	s0 =	sadd.s32 @!p0 $0x100000, s0;
	[bflag:$0x2] =	sbarrier.arrive $0xFFFF  }
0x1cc: {  	[sflag:s0] =	ssyncadd.tile.s32 @!p0 $0x1;
	_ =	shalt  }
.Lfunc_end2:
_tile_overlayer_lowered:
.L_overlay_start_2:
0x1cd: {  	(tag) =	ssettag $0x2  }
0x1ce: {  	s0 =	rddreg [dreg:$0x0];
	s2 =	stileid.u32  }
0x1cf: {  	s1 =	rddreg [dreg:$0x1];
	p0 =	sne.s32 s2, $0x0  }
0x1d0: {  	s3 =	rddreg [dreg:$0x2];
	[bflag:$0x3] =	sbarrier.arrive $0xFFFF;
	s2 =	simm.s32 @!p0 $0x1C02  }
0x1d1: {  	[timem:s3], [sflag:s2] =	dma.local @!p0 [hbm:s0], s1  }
0x1d2: {  	s0 =	simm.s32 @!p0 $0x2  }
0x1d3: {  	_ =	swait.ge @!p0 [sflag:s0], s1  }
0x1d4: {  	s1 =	ssub.s32 @!p0 $0x0, s1;
	[sflag:s0] =	ssyncset.done @!p0 $0x0  }
0x1d5: {  	[sflag:s0] =	ssyncadd.s32 @!p0 s1  }
0x1d6: {  	[bflag:$0x3] =	sbarrier.arrive $0xFFFF  }
0x1d7: {  	_ =	shalt  }

</sc_bundles>
